<compile_context>
chip_gen: v7x
topology: tpu7x:2x2x1
jax: 0.10.2.dev20260603
libtpu: 0.0.44.dev20260713+nightly
codegen_flags: <defaults>
</compile_context>

<pallas_src>
import functools

import jax
import jax.numpy as jnp
from jax import lax
from jax.experimental import pallas as pl
from jax.experimental.pallas import tpu as pltpu
from jax.experimental.pallas import tpu_sc as plsc

_S = 30.0
_M = 0.5
_STD = 0.0125
_SHIFT = 30.0
_LOG2E = 1.4426950408889634
_A = _S * _LOG2E
_BB = _SHIFT * _LOG2E

_K_SC = 36864
_NC, _NS = 2, 16
_NW = _NC * _NS
_CR = 32
_VEC = 16
_CK = 2048


def _tc_kernel(x_ref, out_ref, sum_ref, *, n_classes, cb_off):
    cb = pl.program_id(0)
    ncb = pl.num_programs(0)

    @pl.when(cb == 0)
    def _init():
        sum_ref[...] = jnp.zeros_like(sum_ref)

    x = x_ref[...]
    k, b = x.shape
    e = jnp.exp2(x * _A - _BB)

    @pl.when(cb != ncb - 1)
    def _body():
        sum_ref[0:1, :] += jnp.sum(e, axis=0, keepdims=True)

    @pl.when(cb == ncb - 1)
    def _last():
        cls = jax.lax.broadcasted_iota(jnp.int32, (k, b), 0) \
            + (cb + cb_off) * _CK
        sum_ref[0:1, :] += jnp.sum(jnp.where(cls < n_classes, e, 0.0),
                                   axis=0, keepdims=True)
        out_ref[...] = sum_ref[0:1, :]


def _epilogue_kernel(tc_ref, sc_ref, xlab_ref, margin_ref, out_ref):
    xl = xlab_ref[...]
    b = xl.shape[1]
    e_lab = jnp.exp2(xl * _A - _BB)
    xlc = jnp.clip(xl, -1.0 + 1e-7, 1.0 - 1e-7)
    sin_theta = jnp.sqrt(jnp.maximum(1.0 - xlc * xlc, 0.0))
    mg = margin_ref[...]
    mprime = (xlc * jnp.cos(mg) - sin_theta * jnp.sin(mg)) * _S
    sc_total = sc_ref[0:1, pl.ds(0, b)]
    for w in range(1, _NW):
        sc_total = sc_total + sc_ref[0:1, pl.ds(w * b, b)]
    total = tc_ref[...] + sc_total - e_lab + jnp.exp2(mprime * _LOG2E - _BB)
    loss = jnp.log(total) + _SHIFT - mprime
    out_ref[...] = jnp.sum(loss, axis=1, keepdims=True) / b


def _make_sc_part(n_batch):
    span = _K_SC // _NW
    n_chunks = span // _CR
    bpw = n_batch // _NW
    nbv = n_batch // _VEC
    mesh = plsc.VectorSubcoreMesh(core_axis_name="c", subcore_axis_name="s")

    @functools.partial(
        pl.kernel,
        mesh=mesh,
        out_type=(
            jax.ShapeDtypeStruct((_NW * n_batch,), jnp.float32),
            jax.ShapeDtypeStruct((n_batch,), jnp.float32),
        ),
        scratch_types=[
            pltpu.VMEM((2, _CR, n_batch), jnp.float32),
            pltpu.VMEM((n_batch,), jnp.float32),
            pltpu.VMEM((bpw,), jnp.float32),
            pltpu.VMEM((bpw,), jnp.float32),
            pltpu.VMEM((bpw, 8, 128), jnp.float32),
            pltpu.VMEM((bpw,), jnp.float32),
            pltpu.SemaphoreType.DMA((2,)),
            pltpu.SemaphoreType.DMA,
        ],
        compiler_params=pltpu.CompilerParams(needs_layout_passes=False),
    )
    def _sc(x_hbm, g8_hbm, sub8_hbm, sums_hbm, xlab_hbm, buf, acc, g8v,
            sub8v, ltile, xstage, sems, lsem):
        wid = lax.axis_index("s") * _NC + lax.axis_index("c")
        r0 = wid * span
        b32 = wid * bpw
        b0 = (b32 // 128) * 128
        iota = lax.iota(jnp.int32, _VEC)

        pltpu.sync_copy(g8_hbm.at[pl.ds(b32, bpw)], g8v)
        pltpu.sync_copy(sub8_hbm.at[pl.ds(b32, bpw)], sub8v)

        def _scalar_at(ref, r):
            half = ref[pl.ds((r // _VEC) * _VEC, _VEC)]
            return jnp.sum(jnp.where(iota == lax.rem(r, _VEC), half, 0.0))

        @pl.loop(0, bpw)
        def _fire(r):
            g8 = pl.multiple_of(_scalar_at(g8v, r).astype(jnp.int32), 8)
            pltpu.async_copy(x_hbm.at[pl.ds(g8, 8), pl.ds(b0, 128)],
                             ltile.at[r], lsem)

        @pl.loop(0, nbv)
        def _zero(j):
            acc[pl.ds(j * _VEC, _VEC)] = jnp.zeros((_VEC,), jnp.float32)

        pltpu.async_copy(
            x_hbm.at[pl.ds(r0, _CR), :], buf.at[0], sems.at[0])

        @pl.loop(0, n_chunks)
        def _chunks(t):
            slot = lax.rem(t, 2)

            @pl.when(t + 1 < n_chunks)
            def _prefetch():
                nslot = lax.rem(t + 1, 2)
                row = pl.multiple_of(r0 + (t + 1) * _CR, 8)
                pltpu.async_copy(x_hbm.at[pl.ds(row, _CR), :],
                                 buf.at[nslot], sems.at[nslot])

            pltpu.make_async_copy(
                x_hbm.at[pl.ds(r0, _CR), :],
                buf.at[slot], sems.at[slot]).wait()

            @pl.loop(0, nbv)
            def _bv(j):
                zero4 = (jnp.zeros((_VEC,), jnp.float32),) * 4

                def _acc_body(r, c):
                    a0, a1, a2, a3 = c
                    col = pl.ds(j * _VEC, _VEC)
                    a0 = a0 + jnp.exp(buf[slot, r, col] * _S - _SHIFT)
                    a1 = a1 + jnp.exp(buf[slot, r + 1, col] * _S - _SHIFT)
                    a2 = a2 + jnp.exp(buf[slot, r + 2, col] * _S - _SHIFT)
                    a3 = a3 + jnp.exp(buf[slot, r + 3, col] * _S - _SHIFT)
                    return (a0, a1, a2, a3)

                a0, a1, a2, a3 = plsc.parallel_loop(
                    0, _CR, 4, unroll=2, carry=zero4)(_acc_body)
                col = pl.ds(j * _VEC, _VEC)
                acc[col] = acc[col] + ((a0 + a1) + (a2 + a3))

        pltpu.sync_copy(acc, sums_hbm.at[pl.ds(wid * n_batch, n_batch)])

        @pl.loop(0, bpw)
        def _drain(r):
            pltpu.make_async_copy(x_hbm.at[pl.ds(0, 8), pl.ds(0, 128)],
                                  ltile.at[r], lsem).wait()

        zerox = (jnp.zeros((_VEC,), jnp.float32),
                 jnp.zeros((_VEC,), jnp.float32))

        @pl.loop(0, bpw, init_carry=zerox)
        def xvecs(r, xv):
            x0, x1 = xv
            sub8 = _scalar_at(sub8v, r).astype(jnp.int32)
            colv = ((b32 + r - b0) // _VEC) * _VEC
            v = ltile[r, sub8, pl.ds(colv, _VEC)]
            lane_hit = iota == lax.rem(r, _VEC)
            xl_r = jnp.sum(jnp.where(lane_hit, v, 0.0))
            in0 = r // _VEC == 0
            x0 = jnp.where(in0 & lane_hit, xl_r, x0)
            x1 = jnp.where(jnp.logical_not(in0) & lane_hit, xl_r, x1)
            return (x0, x1)

        xstage[pl.ds(0, _VEC)] = xvecs[0]
        xstage[pl.ds(_VEC, _VEC)] = xvecs[1]
        pltpu.sync_copy(xstage, xlab_hbm.at[pl.ds(b32, bpw)])

    return _sc


@jax.jit
def kernel(input, label):
    b, c = input.shape
    xt = input.T
    cb_off = _K_SC // _CK
    n_cb = pl.cdiv(c - _K_SC, _CK)

    margin = _M + _STD * jax.random.normal(jax.random.key(42), (b,),
                                           dtype=jnp.float32)
    valid = label != -1
    margin = jnp.where(valid, margin, 0.0)
    safe_label = jnp.where(valid, label, 0).astype(jnp.int32)

    g8_f = ((safe_label // 8) * 8).astype(jnp.float32)
    sub8_f = (safe_label % 8).astype(jnp.float32)

    sc_parts, sc_xlab = _make_sc_part(b)(xt, g8_f, sub8_f)

    tc_sums = pl.pallas_call(
        functools.partial(_tc_kernel, n_classes=c, cb_off=cb_off),
        grid=(n_cb,),
        in_specs=[pl.BlockSpec((_CK, b), lambda cb: (cb + cb_off, 0))],
        out_specs=pl.BlockSpec((1, b), lambda cb: (0, 0)),
        out_shape=jax.ShapeDtypeStruct((1, b), jnp.float32),
        scratch_shapes=[pltpu.VMEM((8, b), jnp.float32)],
        compiler_params=pltpu.CompilerParams(
            dimension_semantics=("arbitrary",),
        ),
    )(xt)

    loss_mean = pl.pallas_call(
        _epilogue_kernel,
        in_specs=[
            pl.BlockSpec((1, b), lambda: (0, 0)),
            pl.BlockSpec((1, _NW * b), lambda: (0, 0)),
            pl.BlockSpec((1, b), lambda: (0, 0)),
            pl.BlockSpec((1, b), lambda: (0, 0)),
        ],
        out_specs=pl.BlockSpec((1, 1), lambda: (0, 0)),
        out_shape=jax.ShapeDtypeStruct((1, 1), jnp.float32),
    )(tc_sums, sc_parts[None, :], sc_xlab[None, :], margin[None, :])

    return loss_mean[0, 0]

# --- scband reference (transcript-rebuilt; emitter-appended) ---
"""Pipeline reference for scband-elastic-arc-face-loss-15384572854867 (READ-ONLY COPY).

The authoritative reference and input builder live on the scoring server;
editing this copy changes nothing except your own understanding.
"""

import jax, jax.numpy as jnp
import numpy as np

B, C = 1024, 100000
S_SCALE = 30.0
M = 0.5
STD = 0.0125


def setup_inputs(seed: int = 0) -> dict:
    key = jax.random.key(seed)
    k1, k2 = jax.random.split(key)
    # cosine similarities in (-0.9, 0.9); clamp in reference keeps acos well-conditioned
    inp = {
        "input": jax.random.uniform(k1, (B, C), dtype=jnp.float32, minval=-0.9, maxval=0.9),
        "label": jax.random.randint(k2, (B,), 0, C, dtype=jnp.int32),
    }
    return inp


def reference(input, label):
    # cos_theta = input.clamp(-1+eps, 1-eps)
    cos_theta = jnp.clip(input, -1.0 + 1e-07, 1.0 - 1e-07)
    # index = where(label != -1)
    valid = label != -1
    # margin ~ Normal(m, std) per valid sample (deterministic key stands in for torch.normal)
    mkey = jax.random.key(42)
    margin = M + STD * jax.random.normal(mkey, (B,), dtype=jnp.float32)
    margin = jnp.where(valid, margin, 0.0)
    safe_label = jnp.where(valid, label, 0)
    # m_hot.scatter_(1, label[index, None], margin)  -> one-hot overwrite-scatter
    m_hot = jnp.zeros((B, C), dtype=jnp.float32).at[jnp.arange(B), safe_label].set(margin)
    # cos_theta.acos_(); cos_theta[index] += m_hot; cos_theta.cos_().mul_(s)
    theta = jnp.arccos(cos_theta)
    theta = theta + m_hot
    logits = jnp.cos(theta) * S_SCALE
    # CrossEntropyLoss (mean reduction)
    logp = jax.nn.log_softmax(logits, axis=-1)
    nll = -jnp.take_along_axis(logp, safe_label[:, None].astype(jnp.int32), axis=1)[:, 0]
    return jnp.mean(nll)

if __name__ == "__main__":
    import jax
    _d = setup_inputs()
    print(jax.jit(kernel)(*tuple(_d.values())))

</pallas_src>

<mosaic_0001>
#map = affine_map<(d0, d1) -> (0, 0)>
#map1 = affine_map<(d0, d1) -> (0)>
module attributes {stable_mosaic.version = 14 : i64} {
  func.func @_sc(%arg0: i32, %arg1: i32, %arg2: memref<100000x1024xf32, #tpu.memory_space<hbm>>, %arg3: memref<1024xf32, #tpu.memory_space<hbm>>, %arg4: memref<1024xf32, #tpu.memory_space<hbm>>, %arg5: memref<32768xf32, #tpu.memory_space<hbm>>, %arg6: memref<1024xf32, #tpu.memory_space<hbm>>, %arg7: memref<2x32x1024xf32, #tpu.memory_space<vmem>>, %arg8: memref<1024xf32, #tpu.memory_space<vmem>>, %arg9: memref<32xf32, #tpu.memory_space<vmem>>, %arg10: memref<32xf32, #tpu.memory_space<vmem>>, %arg11: memref<32x8x128xf32, #tpu.memory_space<vmem>>, %arg12: memref<32xf32, #tpu.memory_space<vmem>>, %arg13: memref<2x!tpu.dma_semaphore, #tpu.memory_space<semaphore_mem>>, %arg14: memref<!tpu.dma_semaphore, #tpu.memory_space<semaphore_mem>>) attributes {dimension_semantics = [#tpu.dimension_semantics<core_parallel>, #tpu.dimension_semantics<subcore_parallel>], iteration_bounds = array<i64: 2, 16>, scalar_prefetch = 0 : i64, scratch_operands = 8 : i64, tpu.core_type = #tpu.core_type<sc_vector_subcore>, window_params = [{transform_indices = #map}, {transform_indices = #map1}, {transform_indices = #map1}, {transform_indices = #map1}, {transform_indices = #map1}]} {
    %mul3A = arith.constant 2 : i32
    %mul3A_0 = arith.muli %arg1, %mul3A : i32
    %add3A = arith.addi %mul3A_0, %arg0 : i32
    %mul3A_1 = arith.constant 1152 : i32
    %mul3A_2 = arith.muli %add3A, %mul3A_1 : i32
    %mul3A_3 = arith.constant 32 : i32
    %mul3A_4 = arith.muli %add3A, %mul3A_3 : i32
    %jit3A = arith.constant 128 : i32
    %div3A = arith.divsi %mul3A_4, %jit3A : i32
    %sign3A = arith.constant 0 : i32
    %sign3A_5 = arith.cmpi sgt, %mul3A_4, %sign3A : i32
    %sign3A_6 = arith.extui %sign3A_5 : i1 to i32
    %sign3A_7 = arith.constant 0 : i32
    %sign3A_8 = arith.cmpi slt, %mul3A_4, %sign3A_7 : i32
    %sign3A_9 = arith.extui %sign3A_8 : i1 to i32
    %sign3A_10 = arith.subi %sign3A_6, %sign3A_9 : i32
    %sign3A_11 = arith.constant 0 : i32
    %sign3A_12 = arith.cmpi sgt, %jit3A, %sign3A_11 : i32
    %sign3A_13 = arith.extui %sign3A_12 : i1 to i32
    %sign3A_14 = arith.constant 0 : i32
    %sign3A_15 = arith.cmpi slt, %jit3A, %sign3A_14 : i32
    %sign3A_16 = arith.extui %sign3A_15 : i1 to i32
    %sign3A_17 = arith.subi %sign3A_13, %sign3A_16 : i32
    %ne3A = arith.cmpi ne, %sign3A_10, %sign3A_17 : i32
    %rem3A = arith.remsi %mul3A_4, %jit3A : i32
    %ne3A_18 = arith.constant 0 : i32
    %ne3A_19 = arith.cmpi ne, %rem3A, %ne3A_18 : i32
    %and3A = arith.andi %ne3A, %ne3A_19 : i1
    %sub3A = arith.constant 1 : i32
    %sub3A_20 = arith.subi %div3A, %sub3A : i32
    %select_n3A = arith.select %and3A, %sub3A_20, %div3A : i32
    %mul3A_21 = arith.constant 128 : i32
    %mul3A_22 = arith.muli %select_n3A, %mul3A_21 : i32
    %iota3A = tpu.iota {dimensions = array<i32: 0>} : vector<16xi32>
    "tpu.region"() ({
      %run_scoped3A = tpu.sem_alloc : memref<!tpu.dma_semaphore, #tpu.memory_space<semaphore_mem>>
      %dma_start3A_71 = tpu.memref_slice %arg3[%mul3A_4] : memref<1024xf32, #tpu.memory_space<hbm>> -> memref<32xf32, #tpu.memory_space<hbm>>
      %dma_start3A_72 = tpu.memref_slice %arg3[%mul3A_4] : memref<1024xf32, #tpu.memory_space<hbm>> -> memref<32xf32, #tpu.memory_space<hbm>>
      tpu.enqueue_dma source(%dma_start3A_72 : memref<32xf32, #tpu.memory_space<hbm>>) target(%arg9 : memref<32xf32, #tpu.memory_space<vmem>>) target_semaphore(%run_scoped3A : memref<!tpu.dma_semaphore, #tpu.memory_space<semaphore_mem>>)
      %dma_wait3A = tpu.memref_slice %arg3[%mul3A_4] : memref<1024xf32, #tpu.memory_space<hbm>> -> memref<32xf32, #tpu.memory_space<hbm>>
      %dma_wait3A_73 = tpu.memref_slice %arg3[%mul3A_4] : memref<1024xf32, #tpu.memory_space<hbm>> -> memref<32xf32, #tpu.memory_space<hbm>>
      tpu.wait_dma2 semaphore(%run_scoped3A : memref<!tpu.dma_semaphore, #tpu.memory_space<semaphore_mem>>) src(%dma_wait3A_73 : memref<32xf32, #tpu.memory_space<hbm>>) dst(%arg9 : memref<32xf32, #tpu.memory_space<vmem>>)
      tpu.yield
    }) : () -> ()
    "tpu.region"() ({
      %run_scoped3A = tpu.sem_alloc : memref<!tpu.dma_semaphore, #tpu.memory_space<semaphore_mem>>
      %dma_start3A_71 = tpu.memref_slice %arg4[%mul3A_4] : memref<1024xf32, #tpu.memory_space<hbm>> -> memref<32xf32, #tpu.memory_space<hbm>>
      %dma_start3A_72 = tpu.memref_slice %arg4[%mul3A_4] : memref<1024xf32, #tpu.memory_space<hbm>> -> memref<32xf32, #tpu.memory_space<hbm>>
      tpu.enqueue_dma source(%dma_start3A_72 : memref<32xf32, #tpu.memory_space<hbm>>) target(%arg10 : memref<32xf32, #tpu.memory_space<vmem>>) target_semaphore(%run_scoped3A : memref<!tpu.dma_semaphore, #tpu.memory_space<semaphore_mem>>)
      %dma_wait3A = tpu.memref_slice %arg4[%mul3A_4] : memref<1024xf32, #tpu.memory_space<hbm>> -> memref<32xf32, #tpu.memory_space<hbm>>
      %dma_wait3A_73 = tpu.memref_slice %arg4[%mul3A_4] : memref<1024xf32, #tpu.memory_space<hbm>> -> memref<32xf32, #tpu.memory_space<hbm>>
      tpu.wait_dma2 semaphore(%run_scoped3A : memref<!tpu.dma_semaphore, #tpu.memory_space<semaphore_mem>>) src(%dma_wait3A_73 : memref<32xf32, #tpu.memory_space<hbm>>) dst(%arg10 : memref<32xf32, #tpu.memory_space<vmem>>)
      tpu.yield
    }) : () -> ()
    %scan3A = arith.constant 0 : i32
    %scan3A_23 = arith.constant 32 : i32
    %scan3A_24 = arith.addi %scan3A, %scan3A_23 : i32
    %scan3A_25 = arith.constant 1 : i32
    scf.for %scan3A_71 = %scan3A to %scan3A_24 step %scan3A_25  : i32 {
      %mul3A_72 = arith.constant 1 : i32
      %mul3A_73 = arith.muli %scan3A_71, %mul3A_72 : i32
      %add3A_74 = arith.constant 0 : i32
      %add3A_75 = arith.addi %add3A_74, %mul3A_73 : i32
      %jit3A_76 = arith.constant 16 : i32
      %div3A_77 = arith.divsi %add3A_75, %jit3A_76 : i32
      %sign3A_78 = arith.constant 0 : i32
      %sign3A_79 = arith.cmpi sgt, %add3A_75, %sign3A_78 : i32
      %sign3A_80 = arith.extui %sign3A_79 : i1 to i32
      %sign3A_81 = arith.constant 0 : i32
      %sign3A_82 = arith.cmpi slt, %add3A_75, %sign3A_81 : i32
      %sign3A_83 = arith.extui %sign3A_82 : i1 to i32
      %sign3A_84 = arith.subi %sign3A_80, %sign3A_83 : i32
      %sign3A_85 = arith.constant 0 : i32
      %sign3A_86 = arith.cmpi sgt, %jit3A_76, %sign3A_85 : i32
      %sign3A_87 = arith.extui %sign3A_86 : i1 to i32
      %sign3A_88 = arith.constant 0 : i32
      %sign3A_89 = arith.cmpi slt, %jit3A_76, %sign3A_88 : i32
      %sign3A_90 = arith.extui %sign3A_89 : i1 to i32
      %sign3A_91 = arith.subi %sign3A_87, %sign3A_90 : i32
      %ne3A_92 = arith.cmpi ne, %sign3A_84, %sign3A_91 : i32
      %rem3A_93 = arith.remsi %add3A_75, %jit3A_76 : i32
      %ne3A_94 = arith.constant 0 : i32
      %ne3A_95 = arith.cmpi ne, %rem3A_93, %ne3A_94 : i32
      %and3A_96 = arith.andi %ne3A_92, %ne3A_95 : i1
      %sub3A_97 = arith.constant 1 : i32
      %sub3A_98 = arith.subi %div3A_77, %sub3A_97 : i32
      %select_n3A_99 = arith.select %and3A_96, %sub3A_98, %div3A_77 : i32
      %mul3A_100 = arith.constant 16 : i32
      %mul3A_101 = arith.muli %select_n3A_99, %mul3A_100 : i32
      %get3A = arith.index_cast %mul3A_101 : i32 to index
      %get3A_102 = tpu.vector_load %arg9[%get3A] {strides = array<i32>} : memref<32xf32, #tpu.memory_space<vmem>>, vector<16xf32>,
      %rem3A_103 = arith.constant 16 : i32
      %rem3A_104 = arith.remsi %add3A_75, %rem3A_103 : i32
      %eq3A = vector.broadcast %rem3A_104 : i32 to vector<16xi32>
      %eq3A_105 = arith.cmpi eq, %iota3A, %eq3A : vector<16xi32>
      %jit3A_106 = arith.constant 0.000000e+00 : f32
      %broadcast_in_dim3A_107 = vector.broadcast %jit3A_106 : f32 to vector<16xf32>
      %select_n3A_108 = arith.select %eq3A_105, %get3A_102, %broadcast_in_dim3A_107 : vector<16xi1>, vector<16xf32>
      %reduce_sum3A = arith.constant true
      %reduce_sum3A_109 = vector.broadcast %reduce_sum3A : i1 to vector<16xi1>
      %reduce_sum3A_110 = tpu.scan <sum>, %select_n3A_108 masked %reduce_sum3A_109 : vector<16xf32>, vector<16xi1> -> vector<16xf32>
      %reduce_sum3A_111 = vector.extract %reduce_sum3A_110[15] : f32 from vector<16xf32>
      %convert_element_type3A = arith.fptosi %reduce_sum3A_111 : f32 to i32
      %multiple_of3A = tpu.assume_multiple %convert_element_type3A, 8 : i32
      %dma_start3A_112 = arith.constant 0 : i32
      %dma_start3A_113 = arith.constant 0 : i32
      %dma_start3A_114 = tpu.memref_slice %arg11[%add3A_75, %dma_start3A_112, %dma_start3A_113] : memref<32x8x128xf32, #tpu.memory_space<vmem>> -> memref<1x8x128xf32, #tpu.memory_space<vmem>>
      %dma_start3A_115 = tpu.memref_squeeze %dma_start3A_114 : memref<1x8x128xf32, #tpu.memory_space<vmem>> -> memref<8x128xf32, #tpu.memory_space<vmem>>
      %dma_start3A_116 = tpu.memref_slice %arg2[%multiple_of3A, %mul3A_22] : memref<100000x1024xf32, #tpu.memory_space<hbm>> -> memref<8x128xf32, #tpu.memory_space<hbm>>
      %dma_start3A_117 = arith.constant 0 : i32
      %dma_start3A_118 = arith.constant 0 : i32
      %dma_start3A_119 = tpu.memref_slice %arg11[%add3A_75, %dma_start3A_117, %dma_start3A_118] : memref<32x8x128xf32, #tpu.memory_space<vmem>> -> memref<1x8x128xf32, #tpu.memory_space<vmem>>
      %dma_start3A_120 = tpu.memref_squeeze %dma_start3A_119 : memref<1x8x128xf32, #tpu.memory_space<vmem>> -> memref<8x128xf32, #tpu.memory_space<vmem>>
      %dma_start3A_121 = tpu.memref_slice %arg2[%multiple_of3A, %mul3A_22] : memref<100000x1024xf32, #tpu.memory_space<hbm>> -> memref<8x128xf32, #tpu.memory_space<hbm>>
      tpu.enqueue_dma source(%dma_start3A_121 : memref<8x128xf32, #tpu.memory_space<hbm>>) target(%dma_start3A_120 : memref<8x128xf32, #tpu.memory_space<vmem>>) target_semaphore(%arg14 : memref<!tpu.dma_semaphore, #tpu.memory_space<semaphore_mem>>)
    }
    %scan3A_26 = arith.constant 32 : i32
    %scan3A_27 = arith.constant 0 : i32
    %scan3A_28 = arith.constant 64 : i32
    %scan3A_29 = arith.addi %scan3A_27, %scan3A_28 : i32
    %scan3A_30 = arith.constant 1 : i32
    scf.for %scan3A_71 = %scan3A_27 to %scan3A_29 step %scan3A_30  : i32 {
      %mul3A_72 = arith.constant 1 : i32
      %mul3A_73 = arith.muli %scan3A_71, %mul3A_72 : i32
      %add3A_74 = arith.constant 0 : i32
      %add3A_75 = arith.addi %add3A_74, %mul3A_73 : i32
      %broadcast_in_dim3A_76 = arith.constant 0.000000e+00 : f32
      %broadcast_in_dim3A_77 = vector.broadcast %broadcast_in_dim3A_76 : f32 to vector<16xf32>
      %mul3A_78 = arith.constant 16 : i32
      %mul3A_79 = arith.muli %add3A_75, %mul3A_78 : i32
      %swap3A_80 = arith.index_cast %mul3A_79 : i32 to index
      %swap3A_81 = tpu.vector_load %arg8[%swap3A_80] {strides = array<i32>} : memref<1024xf32, #tpu.memory_space<vmem>>, vector<16xf32>,
      tpu.vector_store %arg8[%swap3A_80], %broadcast_in_dim3A_77 {strides = array<i32>} : memref<1024xf32, #tpu.memory_space<vmem>>, vector<16xf32>,
    }
    %scan3A_31 = arith.constant 64 : i32
    %dma_start3A = arith.constant 0 : i32
    %dma_start3A_32 = arith.constant 0 : i32
    %dma_start3A_33 = arith.constant 0 : i32
    %dma_start3A_34 = arith.constant 0 : i32
    %dma_start3A_35 = tpu.memref_slice %arg7[%dma_start3A, %dma_start3A_33, %dma_start3A_34] : memref<2x32x1024xf32, #tpu.memory_space<vmem>> -> memref<1x32x1024xf32, #tpu.memory_space<vmem>>
    %dma_start3A_36 = tpu.memref_squeeze %dma_start3A_35 : memref<1x32x1024xf32, #tpu.memory_space<vmem>> -> memref<32x1024xf32, #tpu.memory_space<vmem>>
    %dma_start3A_37 = arith.constant 0 : i32
    %dma_start3A_38 = tpu.memref_slice %arg2[%mul3A_2, %dma_start3A_37] : memref<100000x1024xf32, #tpu.memory_space<hbm>> -> memref<32x1024xf32, #tpu.memory_space<hbm>>
    %dma_start3A_39 = tpu.memref_slice %arg13[%dma_start3A_32] : memref<2x!tpu.dma_semaphore, #tpu.memory_space<semaphore_mem>> -> memref<1x!tpu.dma_semaphore, #tpu.memory_space<semaphore_mem>>
    %dma_start3A_40 = tpu.memref_squeeze %dma_start3A_39 : memref<1x!tpu.dma_semaphore, #tpu.memory_space<semaphore_mem>> -> memref<!tpu.dma_semaphore, #tpu.memory_space<semaphore_mem>>
    %dma_start3A_41 = arith.constant 0 : i32
    %dma_start3A_42 = arith.constant 0 : i32
    %dma_start3A_43 = tpu.memref_slice %arg7[%dma_start3A, %dma_start3A_41, %dma_start3A_42] : memref<2x32x1024xf32, #tpu.memory_space<vmem>> -> memref<1x32x1024xf32, #tpu.memory_space<vmem>>
    %dma_start3A_44 = tpu.memref_squeeze %dma_start3A_43 : memref<1x32x1024xf32, #tpu.memory_space<vmem>> -> memref<32x1024xf32, #tpu.memory_space<vmem>>
    %dma_start3A_45 = arith.constant 0 : i32
    %dma_start3A_46 = tpu.memref_slice %arg2[%mul3A_2, %dma_start3A_45] : memref<100000x1024xf32, #tpu.memory_space<hbm>> -> memref<32x1024xf32, #tpu.memory_space<hbm>>
    tpu.enqueue_dma source(%dma_start3A_46 : memref<32x1024xf32, #tpu.memory_space<hbm>>) target(%dma_start3A_44 : memref<32x1024xf32, #tpu.memory_space<vmem>>) target_semaphore(%dma_start3A_40 : memref<!tpu.dma_semaphore, #tpu.memory_space<semaphore_mem>>)
    %scan3A_47 = arith.constant 0 : i32
    %scan3A_48 = arith.constant 36 : i32
    %scan3A_49 = arith.addi %scan3A_47, %scan3A_48 : i32
    %scan3A_50 = arith.constant 1 : i32
    scf.for %scan3A_71 = %scan3A_47 to %scan3A_49 step %scan3A_50  : i32 {
      %mul3A_72 = arith.constant 1 : i32
      %mul3A_73 = arith.muli %scan3A_71, %mul3A_72 : i32
      %add3A_74 = arith.constant 0 : i32
      %add3A_75 = arith.addi %add3A_74, %mul3A_73 : i32
      %rem3A_76 = arith.constant 2 : i32
      %rem3A_77 = arith.remsi %add3A_75, %rem3A_76 : i32
      %add3A_78 = arith.constant 1 : i32
      %add3A_79 = arith.addi %add3A_75, %add3A_78 : i32
      %lt3A = arith.constant 36 : i32
      %lt3A_80 = arith.cmpi slt, %add3A_79, %lt3A : i32
      %convert_element_type3A = arith.extui %lt3A_80 : i1 to i32
      %cond3A = arith.constant 0 : i32
      %cond3A_81 = arith.cmpi ne, %convert_element_type3A, %cond3A : i32
      scf.if %cond3A_81 {
        %add3A_100 = arith.constant 1 : i32
        %add3A_101 = arith.addi %add3A_75, %add3A_100 : i32
        %rem3A_102 = arith.constant 2 : i32
        %rem3A_103 = arith.remsi %add3A_101, %rem3A_102 : i32
        %add3A_104 = arith.constant 1 : i32
        %add3A_105 = arith.addi %add3A_75, %add3A_104 : i32
        %mul3A_106 = arith.constant 32 : i32
        %mul3A_107 = arith.muli %add3A_105, %mul3A_106 : i32
        %add3A_108 = arith.addi %mul3A_2, %mul3A_107 : i32
        %multiple_of3A = tpu.assume_multiple %add3A_108, 8 : i32
        %dma_start3A_109 = arith.constant 0 : i32
        %dma_start3A_110 = arith.constant 0 : i32
        %dma_start3A_111 = tpu.memref_slice %arg7[%rem3A_103, %dma_start3A_109, %dma_start3A_110] : memref<2x32x1024xf32, #tpu.memory_space<vmem>> -> memref<1x32x1024xf32, #tpu.memory_space<vmem>>
        %dma_start3A_112 = tpu.memref_squeeze %dma_start3A_111 : memref<1x32x1024xf32, #tpu.memory_space<vmem>> -> memref<32x1024xf32, #tpu.memory_space<vmem>>
        %dma_start3A_113 = arith.constant 0 : i32
        %dma_start3A_114 = tpu.memref_slice %arg2[%multiple_of3A, %dma_start3A_113] : memref<100000x1024xf32, #tpu.memory_space<hbm>> -> memref<32x1024xf32, #tpu.memory_space<hbm>>
        %dma_start3A_115 = tpu.memref_slice %arg13[%rem3A_103] : memref<2x!tpu.dma_semaphore, #tpu.memory_space<semaphore_mem>> -> memref<1x!tpu.dma_semaphore, #tpu.memory_space<semaphore_mem>>
        %dma_start3A_116 = tpu.memref_squeeze %dma_start3A_115 : memref<1x!tpu.dma_semaphore, #tpu.memory_space<semaphore_mem>> -> memref<!tpu.dma_semaphore, #tpu.memory_space<semaphore_mem>>
        %dma_start3A_117 = arith.constant 0 : i32
        %dma_start3A_118 = arith.constant 0 : i32
        %dma_start3A_119 = tpu.memref_slice %arg7[%rem3A_103, %dma_start3A_117, %dma_start3A_118] : memref<2x32x1024xf32, #tpu.memory_space<vmem>> -> memref<1x32x1024xf32, #tpu.memory_space<vmem>>
        %dma_start3A_120 = tpu.memref_squeeze %dma_start3A_119 : memref<1x32x1024xf32, #tpu.memory_space<vmem>> -> memref<32x1024xf32, #tpu.memory_space<vmem>>
        %dma_start3A_121 = arith.constant 0 : i32
        %dma_start3A_122 = tpu.memref_slice %arg2[%multiple_of3A, %dma_start3A_121] : memref<100000x1024xf32, #tpu.memory_space<hbm>> -> memref<32x1024xf32, #tpu.memory_space<hbm>>
        tpu.enqueue_dma source(%dma_start3A_122 : memref<32x1024xf32, #tpu.memory_space<hbm>>) target(%dma_start3A_120 : memref<32x1024xf32, #tpu.memory_space<vmem>>) target_semaphore(%dma_start3A_116 : memref<!tpu.dma_semaphore, #tpu.memory_space<semaphore_mem>>)
      } else {
      }
      %dma_wait3A = arith.constant 0 : i32
      %dma_wait3A_82 = arith.constant 0 : i32
      %dma_wait3A_83 = tpu.memref_slice %arg7[%rem3A_77, %dma_wait3A, %dma_wait3A_82] : memref<2x32x1024xf32, #tpu.memory_space<vmem>> -> memref<1x32x1024xf32, #tpu.memory_space<vmem>>
      %dma_wait3A_84 = tpu.memref_squeeze %dma_wait3A_83 : memref<1x32x1024xf32, #tpu.memory_space<vmem>> -> memref<32x1024xf32, #tpu.memory_space<vmem>>
      %dma_wait3A_85 = arith.constant 0 : i32
      %dma_wait3A_86 = tpu.memref_slice %arg2[%mul3A_2, %dma_wait3A_85] : memref<100000x1024xf32, #tpu.memory_space<hbm>> -> memref<32x1024xf32, #tpu.memory_space<hbm>>
      %dma_wait3A_87 = tpu.memref_slice %arg13[%rem3A_77] : memref<2x!tpu.dma_semaphore, #tpu.memory_space<semaphore_mem>> -> memref<1x!tpu.dma_semaphore, #tpu.memory_space<semaphore_mem>>
      %dma_wait3A_88 = tpu.memref_squeeze %dma_wait3A_87 : memref<1x!tpu.dma_semaphore, #tpu.memory_space<semaphore_mem>> -> memref<!tpu.dma_semaphore, #tpu.memory_space<semaphore_mem>>
      %dma_wait3A_89 = arith.constant 0 : i32
      %dma_wait3A_90 = arith.constant 0 : i32
      %dma_wait3A_91 = tpu.memref_slice %arg7[%rem3A_77, %dma_wait3A_89, %dma_wait3A_90] : memref<2x32x1024xf32, #tpu.memory_space<vmem>> -> memref<1x32x1024xf32, #tpu.memory_space<vmem>>
      %dma_wait3A_92 = tpu.memref_squeeze %dma_wait3A_91 : memref<1x32x1024xf32, #tpu.memory_space<vmem>> -> memref<32x1024xf32, #tpu.memory_space<vmem>>
      %dma_wait3A_93 = arith.constant 0 : i32
      %dma_wait3A_94 = tpu.memref_slice %arg2[%mul3A_2, %dma_wait3A_93] : memref<100000x1024xf32, #tpu.memory_space<hbm>> -> memref<32x1024xf32, #tpu.memory_space<hbm>>
      tpu.wait_dma2 semaphore(%dma_wait3A_88 : memref<!tpu.dma_semaphore, #tpu.memory_space<semaphore_mem>>) src(%dma_wait3A_94 : memref<32x1024xf32, #tpu.memory_space<hbm>>) dst(%dma_wait3A_92 : memref<32x1024xf32, #tpu.memory_space<vmem>>)
      %scan3A_95 = arith.constant 0 : i32
      %scan3A_96 = arith.constant 64 : i32
      %scan3A_97 = arith.addi %scan3A_95, %scan3A_96 : i32
      %scan3A_98 = arith.constant 1 : i32
      scf.for %scan3A_100 = %scan3A_95 to %scan3A_97 step %scan3A_98  : i32 {
        %mul3A_101 = arith.constant 1 : i32
        %mul3A_102 = arith.muli %scan3A_100, %mul3A_101 : i32
        %add3A_103 = arith.constant 0 : i32
        %add3A_104 = arith.addi %add3A_103, %mul3A_102 : i32
        %broadcast_in_dim3A_105 = arith.constant 0.000000e+00 : f32
        %broadcast_in_dim3A_106 = vector.broadcast %broadcast_in_dim3A_105 : f32 to vector<16xf32>
        %parallel_loop3A = arith.constant 0 : i32
        %parallel_loop3A_107 = arith.constant 32 : i32
        %parallel_loop3A_108 = arith.constant 4 : i32
        %parallel_loop3A_109:4 = scf.for %parallel_loop3A_119 = %parallel_loop3A to %parallel_loop3A_107 step %parallel_loop3A_108 iter_args(%parallel_loop3A_120 = %broadcast_in_dim3A_106, %parallel_loop3A_121 = %broadcast_in_dim3A_106, %parallel_loop3A_122 = %broadcast_in_dim3A_106, %parallel_loop3A_123 = %broadcast_in_dim3A_106) -> (vector<16xf32>, vector<16xf32>, vector<16xf32>, vector<16xf32>)  : i32 {
          %parallel_loop3A_124 = arith.constant 16 : i32
          %parallel_loop3A_125 = arith.muli %add3A_104, %parallel_loop3A_124 : i32
          %parallel_loop3A_126 = arith.index_cast %rem3A_77 : i32 to index
          %parallel_loop3A_127 = arith.index_cast %parallel_loop3A_119 : i32 to index
          %parallel_loop3A_128 = arith.index_cast %parallel_loop3A_125 : i32 to index
          %parallel_loop3A_129 = tpu.vector_load %arg7[%parallel_loop3A_126, %parallel_loop3A_127, %parallel_loop3A_128] {strides = array<i32>} : memref<2x32x1024xf32, #tpu.memory_space<vmem>>, vector<16xf32>,
          %parallel_loop3A_130 = arith.constant 3.000000e+01 : f32
          %parallel_loop3A_131 = vector.broadcast %parallel_loop3A_130 : f32 to vector<16xf32>
          %parallel_loop3A_132 = arith.mulf %parallel_loop3A_129, %parallel_loop3A_131 : vector<16xf32>
          %parallel_loop3A_133 = arith.constant 3.000000e+01 : f32
          %parallel_loop3A_134 = vector.broadcast %parallel_loop3A_133 : f32 to vector<16xf32>
          %parallel_loop3A_135 = arith.subf %parallel_loop3A_132, %parallel_loop3A_134 : vector<16xf32>
          %parallel_loop3A_136 = math.exp %parallel_loop3A_135 : vector<16xf32>
          %parallel_loop3A_137 = arith.addf %parallel_loop3A_120, %parallel_loop3A_136 : vector<16xf32>
          %parallel_loop3A_138 = arith.constant 1 : i32
          %parallel_loop3A_139 = arith.addi %parallel_loop3A_119, %parallel_loop3A_138 : i32
          %parallel_loop3A_140 = arith.index_cast %rem3A_77 : i32 to index
          %parallel_loop3A_141 = arith.index_cast %parallel_loop3A_139 : i32 to index
          %parallel_loop3A_142 = arith.index_cast %parallel_loop3A_125 : i32 to index
          %parallel_loop3A_143 = tpu.vector_load %arg7[%parallel_loop3A_140, %parallel_loop3A_141, %parallel_loop3A_142] {strides = array<i32>} : memref<2x32x1024xf32, #tpu.memory_space<vmem>>, vector<16xf32>,
          %parallel_loop3A_144 = arith.constant 3.000000e+01 : f32
          %parallel_loop3A_145 = vector.broadcast %parallel_loop3A_144 : f32 to vector<16xf32>
          %parallel_loop3A_146 = arith.mulf %parallel_loop3A_143, %parallel_loop3A_145 : vector<16xf32>
          %parallel_loop3A_147 = arith.constant 3.000000e+01 : f32
          %parallel_loop3A_148 = vector.broadcast %parallel_loop3A_147 : f32 to vector<16xf32>
          %parallel_loop3A_149 = arith.subf %parallel_loop3A_146, %parallel_loop3A_148 : vector<16xf32>
          %parallel_loop3A_150 = math.exp %parallel_loop3A_149 : vector<16xf32>
          %parallel_loop3A_151 = arith.addf %parallel_loop3A_121, %parallel_loop3A_150 : vector<16xf32>
          %parallel_loop3A_152 = arith.constant 2 : i32
          %parallel_loop3A_153 = arith.addi %parallel_loop3A_119, %parallel_loop3A_152 : i32
          %parallel_loop3A_154 = arith.index_cast %rem3A_77 : i32 to index
          %parallel_loop3A_155 = arith.index_cast %parallel_loop3A_153 : i32 to index
          %parallel_loop3A_156 = arith.index_cast %parallel_loop3A_125 : i32 to index
          %parallel_loop3A_157 = tpu.vector_load %arg7[%parallel_loop3A_154, %parallel_loop3A_155, %parallel_loop3A_156] {strides = array<i32>} : memref<2x32x1024xf32, #tpu.memory_space<vmem>>, vector<16xf32>,
          %parallel_loop3A_158 = arith.constant 3.000000e+01 : f32
          %parallel_loop3A_159 = vector.broadcast %parallel_loop3A_158 : f32 to vector<16xf32>
          %parallel_loop3A_160 = arith.mulf %parallel_loop3A_157, %parallel_loop3A_159 : vector<16xf32>
          %parallel_loop3A_161 = arith.constant 3.000000e+01 : f32
          %parallel_loop3A_162 = vector.broadcast %parallel_loop3A_161 : f32 to vector<16xf32>
          %parallel_loop3A_163 = arith.subf %parallel_loop3A_160, %parallel_loop3A_162 : vector<16xf32>
          %parallel_loop3A_164 = math.exp %parallel_loop3A_163 : vector<16xf32>
          %parallel_loop3A_165 = arith.addf %parallel_loop3A_122, %parallel_loop3A_164 : vector<16xf32>
          %parallel_loop3A_166 = arith.constant 3 : i32
          %parallel_loop3A_167 = arith.addi %parallel_loop3A_119, %parallel_loop3A_166 : i32
          %parallel_loop3A_168 = arith.index_cast %rem3A_77 : i32 to index
          %parallel_loop3A_169 = arith.index_cast %parallel_loop3A_167 : i32 to index
          %parallel_loop3A_170 = arith.index_cast %parallel_loop3A_125 : i32 to index
          %parallel_loop3A_171 = tpu.vector_load %arg7[%parallel_loop3A_168, %parallel_loop3A_169, %parallel_loop3A_170] {strides = array<i32>} : memref<2x32x1024xf32, #tpu.memory_space<vmem>>, vector<16xf32>,
          %parallel_loop3A_172 = arith.constant 3.000000e+01 : f32
          %parallel_loop3A_173 = vector.broadcast %parallel_loop3A_172 : f32 to vector<16xf32>
          %parallel_loop3A_174 = arith.mulf %parallel_loop3A_171, %parallel_loop3A_173 : vector<16xf32>
          %parallel_loop3A_175 = arith.constant 3.000000e+01 : f32
          %parallel_loop3A_176 = vector.broadcast %parallel_loop3A_175 : f32 to vector<16xf32>
          %parallel_loop3A_177 = arith.subf %parallel_loop3A_174, %parallel_loop3A_176 : vector<16xf32>
          %parallel_loop3A_178 = math.exp %parallel_loop3A_177 : vector<16xf32>
          %parallel_loop3A_179 = arith.addf %parallel_loop3A_123, %parallel_loop3A_178 : vector<16xf32>
          scf.yield %parallel_loop3A_137, %parallel_loop3A_151, %parallel_loop3A_165, %parallel_loop3A_179 : vector<16xf32>, vector<16xf32>, vector<16xf32>, vector<16xf32>
        } {sc.loop_unroll_factor = 2 : i64, sc.parallel_access}
        %mul3A_110 = arith.constant 16 : i32
        %mul3A_111 = arith.muli %add3A_104, %mul3A_110 : i32
        %get3A = arith.index_cast %mul3A_111 : i32 to index
        %get3A_112 = tpu.vector_load %arg8[%get3A] {strides = array<i32>} : memref<1024xf32, #tpu.memory_space<vmem>>, vector<16xf32>,
        %add3A_113 = arith.addf %parallel_loop3A_109#0, %parallel_loop3A_109#1 : vector<16xf32>
        %add3A_114 = arith.addf %parallel_loop3A_109#2, %parallel_loop3A_109#3 : vector<16xf32>
        %add3A_115 = arith.addf %add3A_113, %add3A_114 : vector<16xf32>
        %add3A_116 = arith.addf %get3A_112, %add3A_115 : vector<16xf32>
        %swap3A_117 = arith.index_cast %mul3A_111 : i32 to index
        %swap3A_118 = tpu.vector_load %arg8[%swap3A_117] {strides = array<i32>} : memref<1024xf32, #tpu.memory_space<vmem>>, vector<16xf32>,
        tpu.vector_store %arg8[%swap3A_117], %add3A_116 {strides = array<i32>} : memref<1024xf32, #tpu.memory_space<vmem>>, vector<16xf32>,
      }
      %scan3A_99 = arith.constant 64 : i32
    }
    %scan3A_51 = arith.constant 36 : i32
    %mul3A_52 = arith.constant 1024 : i32
    %mul3A_53 = arith.muli %add3A, %mul3A_52 : i32
    "tpu.region"() ({
      %run_scoped3A = tpu.sem_alloc : memref<!tpu.dma_semaphore, #tpu.memory_space<semaphore_mem>>
      %dma_start3A_71 = tpu.memref_slice %arg5[%mul3A_53] : memref<32768xf32, #tpu.memory_space<hbm>> -> memref<1024xf32, #tpu.memory_space<hbm>>
      %dma_start3A_72 = tpu.memref_slice %arg5[%mul3A_53] : memref<32768xf32, #tpu.memory_space<hbm>> -> memref<1024xf32, #tpu.memory_space<hbm>>
      tpu.enqueue_dma source(%arg8 : memref<1024xf32, #tpu.memory_space<vmem>>) target(%dma_start3A_72 : memref<1024xf32, #tpu.memory_space<hbm>>) target_semaphore(%run_scoped3A : memref<!tpu.dma_semaphore, #tpu.memory_space<semaphore_mem>>)
      %dma_wait3A = tpu.memref_slice %arg5[%mul3A_53] : memref<32768xf32, #tpu.memory_space<hbm>> -> memref<1024xf32, #tpu.memory_space<hbm>>
      %dma_wait3A_73 = tpu.memref_slice %arg5[%mul3A_53] : memref<32768xf32, #tpu.memory_space<hbm>> -> memref<1024xf32, #tpu.memory_space<hbm>>
      tpu.wait_dma2 semaphore(%run_scoped3A : memref<!tpu.dma_semaphore, #tpu.memory_space<semaphore_mem>>) src(%arg8 : memref<1024xf32, #tpu.memory_space<vmem>>) dst(%dma_wait3A_73 : memref<1024xf32, #tpu.memory_space<hbm>>)
      tpu.yield
    }) : () -> ()
    %scan3A_54 = arith.constant 0 : i32
    %scan3A_55 = arith.constant 32 : i32
    %scan3A_56 = arith.addi %scan3A_54, %scan3A_55 : i32
    %scan3A_57 = arith.constant 1 : i32
    scf.for %scan3A_71 = %scan3A_54 to %scan3A_56 step %scan3A_57  : i32 {
      %mul3A_72 = arith.constant 1 : i32
      %mul3A_73 = arith.muli %scan3A_71, %mul3A_72 : i32
      %add3A_74 = arith.constant 0 : i32
      %add3A_75 = arith.addi %add3A_74, %mul3A_73 : i32
      %dma_wait3A = arith.constant 0 : i32
      %dma_wait3A_76 = arith.constant 0 : i32
      %dma_wait3A_77 = tpu.memref_slice %arg11[%add3A_75, %dma_wait3A, %dma_wait3A_76] : memref<32x8x128xf32, #tpu.memory_space<vmem>> -> memref<1x8x128xf32, #tpu.memory_space<vmem>>
      %dma_wait3A_78 = tpu.memref_squeeze %dma_wait3A_77 : memref<1x8x128xf32, #tpu.memory_space<vmem>> -> memref<8x128xf32, #tpu.memory_space<vmem>>
      %dma_wait3A_79 = arith.constant 0 : i32
      %dma_wait3A_80 = arith.constant 0 : i32
      %dma_wait3A_81 = tpu.memref_slice %arg2[%dma_wait3A_79, %dma_wait3A_80] : memref<100000x1024xf32, #tpu.memory_space<hbm>> -> memref<8x128xf32, #tpu.memory_space<hbm>>
      %dma_wait3A_82 = arith.constant 0 : i32
      %dma_wait3A_83 = arith.constant 0 : i32
      %dma_wait3A_84 = tpu.memref_slice %arg11[%add3A_75, %dma_wait3A_82, %dma_wait3A_83] : memref<32x8x128xf32, #tpu.memory_space<vmem>> -> memref<1x8x128xf32, #tpu.memory_space<vmem>>
      %dma_wait3A_85 = tpu.memref_squeeze %dma_wait3A_84 : memref<1x8x128xf32, #tpu.memory_space<vmem>> -> memref<8x128xf32, #tpu.memory_space<vmem>>
      %dma_wait3A_86 = arith.constant 0 : i32
      %dma_wait3A_87 = arith.constant 0 : i32
      %dma_wait3A_88 = tpu.memref_slice %arg2[%dma_wait3A_86, %dma_wait3A_87] : memref<100000x1024xf32, #tpu.memory_space<hbm>> -> memref<8x128xf32, #tpu.memory_space<hbm>>
      tpu.wait_dma2 semaphore(%arg14 : memref<!tpu.dma_semaphore, #tpu.memory_space<semaphore_mem>>) src(%dma_wait3A_88 : memref<8x128xf32, #tpu.memory_space<hbm>>) dst(%dma_wait3A_85 : memref<8x128xf32, #tpu.memory_space<vmem>>)
    }
    %scan3A_58 = arith.constant 32 : i32
    %broadcast_in_dim3A = arith.constant 0.000000e+00 : f32
    %broadcast_in_dim3A_59 = vector.broadcast %broadcast_in_dim3A : f32 to vector<16xf32>
    %broadcast_in_dim3A_60 = arith.constant 0.000000e+00 : f32
    %broadcast_in_dim3A_61 = vector.broadcast %broadcast_in_dim3A_60 : f32 to vector<16xf32>
    %scan3A_62 = arith.constant 0 : i32
    %scan3A_63 = arith.constant 32 : i32
    %scan3A_64 = arith.addi %scan3A_62, %scan3A_63 : i32
    %scan3A_65 = arith.constant 1 : i32
    %scan3A_66:2 = scf.for %scan3A_71 = %scan3A_62 to %scan3A_64 step %scan3A_65 iter_args(%scan3A_72 = %broadcast_in_dim3A_59, %scan3A_73 = %broadcast_in_dim3A_61) -> (vector<16xf32>, vector<16xf32>)  : i32 {
      %mul3A_74 = arith.constant 1 : i32
      %mul3A_75 = arith.muli %scan3A_71, %mul3A_74 : i32
      %add3A_76 = arith.constant 0 : i32
      %add3A_77 = arith.addi %add3A_76, %mul3A_75 : i32
      %jit3A_78 = arith.constant 16 : i32
      %div3A_79 = arith.divsi %add3A_77, %jit3A_78 : i32
      %sign3A_80 = arith.constant 0 : i32
      %sign3A_81 = arith.cmpi sgt, %add3A_77, %sign3A_80 : i32
      %sign3A_82 = arith.extui %sign3A_81 : i1 to i32
      %sign3A_83 = arith.constant 0 : i32
      %sign3A_84 = arith.cmpi slt, %add3A_77, %sign3A_83 : i32
      %sign3A_85 = arith.extui %sign3A_84 : i1 to i32
      %sign3A_86 = arith.subi %sign3A_82, %sign3A_85 : i32
      %sign3A_87 = arith.constant 0 : i32
      %sign3A_88 = arith.cmpi sgt, %jit3A_78, %sign3A_87 : i32
      %sign3A_89 = arith.extui %sign3A_88 : i1 to i32
      %sign3A_90 = arith.constant 0 : i32
      %sign3A_91 = arith.cmpi slt, %jit3A_78, %sign3A_90 : i32
      %sign3A_92 = arith.extui %sign3A_91 : i1 to i32
      %sign3A_93 = arith.subi %sign3A_89, %sign3A_92 : i32
      %ne3A_94 = arith.cmpi ne, %sign3A_86, %sign3A_93 : i32
      %rem3A_95 = arith.remsi %add3A_77, %jit3A_78 : i32
      %ne3A_96 = arith.constant 0 : i32
      %ne3A_97 = arith.cmpi ne, %rem3A_95, %ne3A_96 : i32
      %and3A_98 = arith.andi %ne3A_94, %ne3A_97 : i1
      %sub3A_99 = arith.constant 1 : i32
      %sub3A_100 = arith.subi %div3A_79, %sub3A_99 : i32
      %select_n3A_101 = arith.select %and3A_98, %sub3A_100, %div3A_79 : i32
      %mul3A_102 = arith.constant 16 : i32
      %mul3A_103 = arith.muli %select_n3A_101, %mul3A_102 : i32
      %get3A = arith.index_cast %mul3A_103 : i32 to index
      %get3A_104 = tpu.vector_load %arg10[%get3A] {strides = array<i32>} : memref<32xf32, #tpu.memory_space<vmem>>, vector<16xf32>,
      %rem3A_105 = arith.constant 16 : i32
      %rem3A_106 = arith.remsi %add3A_77, %rem3A_105 : i32
      %eq3A = vector.broadcast %rem3A_106 : i32 to vector<16xi32>
      %eq3A_107 = arith.cmpi eq, %iota3A, %eq3A : vector<16xi32>
      %jit3A_108 = arith.constant 0.000000e+00 : f32
      %broadcast_in_dim3A_109 = vector.broadcast %jit3A_108 : f32 to vector<16xf32>
      %select_n3A_110 = arith.select %eq3A_107, %get3A_104, %broadcast_in_dim3A_109 : vector<16xi1>, vector<16xf32>
      %reduce_sum3A = arith.constant true
      %reduce_sum3A_111 = vector.broadcast %reduce_sum3A : i1 to vector<16xi1>
      %reduce_sum3A_112 = tpu.scan <sum>, %select_n3A_110 masked %reduce_sum3A_111 : vector<16xf32>, vector<16xi1> -> vector<16xf32>
      %reduce_sum3A_113 = vector.extract %reduce_sum3A_112[15] : f32 from vector<16xf32>
      %convert_element_type3A = arith.fptosi %reduce_sum3A_113 : f32 to i32
      %add3A_114 = arith.addi %mul3A_4, %add3A_77 : i32
      %sub3A_115 = arith.subi %add3A_114, %mul3A_22 : i32
      %jit3A_116 = arith.constant 16 : i32
      %div3A_117 = arith.divsi %sub3A_115, %jit3A_116 : i32
      %sign3A_118 = arith.constant 0 : i32
      %sign3A_119 = arith.cmpi sgt, %sub3A_115, %sign3A_118 : i32
      %sign3A_120 = arith.extui %sign3A_119 : i1 to i32
      %sign3A_121 = arith.constant 0 : i32
      %sign3A_122 = arith.cmpi slt, %sub3A_115, %sign3A_121 : i32
      %sign3A_123 = arith.extui %sign3A_122 : i1 to i32
      %sign3A_124 = arith.subi %sign3A_120, %sign3A_123 : i32
      %sign3A_125 = arith.constant 0 : i32
      %sign3A_126 = arith.cmpi sgt, %jit3A_116, %sign3A_125 : i32
      %sign3A_127 = arith.extui %sign3A_126 : i1 to i32
      %sign3A_128 = arith.constant 0 : i32
      %sign3A_129 = arith.cmpi slt, %jit3A_116, %sign3A_128 : i32
      %sign3A_130 = arith.extui %sign3A_129 : i1 to i32
      %sign3A_131 = arith.subi %sign3A_127, %sign3A_130 : i32
      %ne3A_132 = arith.cmpi ne, %sign3A_124, %sign3A_131 : i32
      %rem3A_133 = arith.remsi %sub3A_115, %jit3A_116 : i32
      %ne3A_134 = arith.constant 0 : i32
      %ne3A_135 = arith.cmpi ne, %rem3A_133, %ne3A_134 : i32
      %and3A_136 = arith.andi %ne3A_132, %ne3A_135 : i1
      %sub3A_137 = arith.constant 1 : i32
      %sub3A_138 = arith.subi %div3A_117, %sub3A_137 : i32
      %select_n3A_139 = arith.select %and3A_136, %sub3A_138, %div3A_117 : i32
      %mul3A_140 = arith.constant 16 : i32
      %mul3A_141 = arith.muli %select_n3A_139, %mul3A_140 : i32
      %get3A_142 = arith.index_cast %add3A_77 : i32 to index
      %get3A_143 = arith.index_cast %convert_element_type3A : i32 to index
      %get3A_144 = arith.index_cast %mul3A_141 : i32 to index
      %get3A_145 = tpu.vector_load %arg11[%get3A_142, %get3A_143, %get3A_144] {strides = array<i32>} : memref<32x8x128xf32, #tpu.memory_space<vmem>>, vector<16xf32>,
      %rem3A_146 = arith.constant 16 : i32
      %rem3A_147 = arith.remsi %add3A_77, %rem3A_146 : i32
      %eq3A_148 = vector.broadcast %rem3A_147 : i32 to vector<16xi32>
      %eq3A_149 = arith.cmpi eq, %iota3A, %eq3A_148 : vector<16xi32>
      %jit3A_150 = arith.constant 0.000000e+00 : f32
      %broadcast_in_dim3A_151 = vector.broadcast %jit3A_150 : f32 to vector<16xf32>
      %select_n3A_152 = arith.select %eq3A_149, %get3A_145, %broadcast_in_dim3A_151 : vector<16xi1>, vector<16xf32>
      %reduce_sum3A_153 = arith.constant true
      %reduce_sum3A_154 = vector.broadcast %reduce_sum3A_153 : i1 to vector<16xi1>
      %reduce_sum3A_155 = tpu.scan <sum>, %select_n3A_152 masked %reduce_sum3A_154 : vector<16xf32>, vector<16xi1> -> vector<16xf32>
      %reduce_sum3A_156 = vector.extract %reduce_sum3A_155[15] : f32 from vector<16xf32>
      %jit3A_157 = arith.constant 16 : i32
      %div3A_158 = arith.divsi %add3A_77, %jit3A_157 : i32
      %sign3A_159 = arith.constant 0 : i32
      %sign3A_160 = arith.cmpi sgt, %add3A_77, %sign3A_159 : i32
      %sign3A_161 = arith.extui %sign3A_160 : i1 to i32
      %sign3A_162 = arith.constant 0 : i32
      %sign3A_163 = arith.cmpi slt, %add3A_77, %sign3A_162 : i32
      %sign3A_164 = arith.extui %sign3A_163 : i1 to i32
      %sign3A_165 = arith.subi %sign3A_161, %sign3A_164 : i32
      %sign3A_166 = arith.constant 0 : i32
      %sign3A_167 = arith.cmpi sgt, %jit3A_157, %sign3A_166 : i32
      %sign3A_168 = arith.extui %sign3A_167 : i1 to i32
      %sign3A_169 = arith.constant 0 : i32
      %sign3A_170 = arith.cmpi slt, %jit3A_157, %sign3A_169 : i32
      %sign3A_171 = arith.extui %sign3A_170 : i1 to i32
      %sign3A_172 = arith.subi %sign3A_168, %sign3A_171 : i32
      %ne3A_173 = arith.cmpi ne, %sign3A_165, %sign3A_172 : i32
      %rem3A_174 = arith.remsi %add3A_77, %jit3A_157 : i32
      %ne3A_175 = arith.constant 0 : i32
      %ne3A_176 = arith.cmpi ne, %rem3A_174, %ne3A_175 : i32
      %and3A_177 = arith.andi %ne3A_173, %ne3A_176 : i1
      %sub3A_178 = arith.constant 1 : i32
      %sub3A_179 = arith.subi %div3A_158, %sub3A_178 : i32
      %select_n3A_180 = arith.select %and3A_177, %sub3A_179, %div3A_158 : i32
      %eq3A_181 = arith.constant 0 : i32
      %eq3A_182 = arith.cmpi eq, %select_n3A_180, %eq3A_181 : i32
      %and3A_183 = vector.broadcast %eq3A_182 : i1 to vector<16xi1>
      %and3A_184 = arith.andi %and3A_183, %eq3A_149 : vector<16xi1>
      %broadcast_in_dim3A_185 = vector.broadcast %reduce_sum3A_156 : f32 to vector<16xf32>
      %select_n3A_186 = arith.select %and3A_184, %broadcast_in_dim3A_185, %scan3A_72 : vector<16xi1>, vector<16xf32>
      %not3A = arith.constant true
      %not3A_187 = arith.xori %eq3A_182, %not3A : i1
      %and3A_188 = vector.broadcast %not3A_187 : i1 to vector<16xi1>
      %and3A_189 = arith.andi %and3A_188, %eq3A_149 : vector<16xi1>
      %broadcast_in_dim3A_190 = vector.broadcast %reduce_sum3A_156 : f32 to vector<16xf32>
      %select_n3A_191 = arith.select %and3A_189, %broadcast_in_dim3A_190, %scan3A_73 : vector<16xi1>, vector<16xf32>
      scf.yield %select_n3A_186, %select_n3A_191 : vector<16xf32>, vector<16xf32>
    }
    %scan3A_67 = arith.constant 32 : i32
    %swap3A = arith.constant 0 : index
    %swap3A_68 = tpu.vector_load %arg12[%swap3A] {strides = array<i32>} : memref<32xf32, #tpu.memory_space<vmem>>, vector<16xf32>,
    tpu.vector_store %arg12[%swap3A], %scan3A_66#0 {strides = array<i32>} : memref<32xf32, #tpu.memory_space<vmem>>, vector<16xf32>,
    %swap3A_69 = arith.constant 16 : index
    %swap3A_70 = tpu.vector_load %arg12[%swap3A_69] {strides = array<i32>} : memref<32xf32, #tpu.memory_space<vmem>>, vector<16xf32>,
    tpu.vector_store %arg12[%swap3A_69], %scan3A_66#1 {strides = array<i32>} : memref<32xf32, #tpu.memory_space<vmem>>, vector<16xf32>,
    "tpu.region"() ({
      %run_scoped3A = tpu.sem_alloc : memref<!tpu.dma_semaphore, #tpu.memory_space<semaphore_mem>>
      %dma_start3A_71 = tpu.memref_slice %arg6[%mul3A_4] : memref<1024xf32, #tpu.memory_space<hbm>> -> memref<32xf32, #tpu.memory_space<hbm>>
      %dma_start3A_72 = tpu.memref_slice %arg6[%mul3A_4] : memref<1024xf32, #tpu.memory_space<hbm>> -> memref<32xf32, #tpu.memory_space<hbm>>
      tpu.enqueue_dma source(%arg12 : memref<32xf32, #tpu.memory_space<vmem>>) target(%dma_start3A_72 : memref<32xf32, #tpu.memory_space<hbm>>) target_semaphore(%run_scoped3A : memref<!tpu.dma_semaphore, #tpu.memory_space<semaphore_mem>>)
      %dma_wait3A = tpu.memref_slice %arg6[%mul3A_4] : memref<1024xf32, #tpu.memory_space<hbm>> -> memref<32xf32, #tpu.memory_space<hbm>>
      %dma_wait3A_73 = tpu.memref_slice %arg6[%mul3A_4] : memref<1024xf32, #tpu.memory_space<hbm>> -> memref<32xf32, #tpu.memory_space<hbm>>
      tpu.wait_dma2 semaphore(%run_scoped3A : memref<!tpu.dma_semaphore, #tpu.memory_space<semaphore_mem>>) src(%arg12 : memref<32xf32, #tpu.memory_space<vmem>>) dst(%dma_wait3A_73 : memref<32xf32, #tpu.memory_space<hbm>>)
      tpu.yield
    }) : () -> ()
    return
  }
}

module attributes {stable_mosaic.version = 14 : i64} {
  func.func @_tc_kernel(%arg0: i32, %arg1: memref<2048x1024xf32, #tpu.memory_space<vmem>>, %arg2: memref<1x1024xf32, #tpu.memory_space<vmem>>, %arg3: memref<8x1024xf32, #tpu.memory_space<vmem>>) attributes {dimension_semantics = [#tpu.dimension_semantics<arbitrary>], iteration_bounds = array<i64: 31>, scalar_prefetch = 0 : i64, scratch_operands = 1 : i64, tpu.core_type = #tpu.core_type<tc>, window_params = [{transform_indices = @transform_0, window_bounds = array<i64: 2048, 1024>}, {pipeline_mode = #tpu.pipeline_mode<synchronous>, transform_indices = @transform_1, window_bounds = array<i64: 1, 1024>}]} {
    %eq3A = arith.constant 0 : i32
    %eq3A_0 = arith.cmpi eq, %arg0, %eq3A : i32
    %convert_element_type3A = arith.extui %eq3A_0 : i1 to i32
    %cond3A = arith.constant 0 : i32
    %cond3A_1 = arith.cmpi ne, %convert_element_type3A, %cond3A : i32
    scf.if %cond3A_1 {
      %broadcast_in_dim3A = arith.constant 0.000000e+00 : f32
      %broadcast_in_dim3A_17 = vector.broadcast %broadcast_in_dim3A : f32 to vector<8x1024xf32>
      %swap3A = arith.constant 0 : index
      %swap3A_18 = arith.constant 0 : index
      %swap3A_19 = vector.load %arg3[%swap3A, %swap3A_18] : memref<8x1024xf32, #tpu.memory_space<vmem>>, vector<8x1024xf32>
      tpu.vector_store %arg3[%swap3A, %swap3A_18], %broadcast_in_dim3A_17 {strides = array<i32>} : memref<8x1024xf32, #tpu.memory_space<vmem>>, vector<8x1024xf32>,
    } else {
    }
    %get3A = arith.constant 0 : index
    %get3A_2 = arith.constant 0 : index
    %get3A_3 = vector.load %arg1[%get3A, %get3A_2] : memref<2048x1024xf32, #tpu.memory_space<vmem>>, vector<2048x1024xf32>
    %mul3A = arith.constant 43.2808495 : f32
    %mul3A_4 = vector.broadcast %mul3A : f32 to vector<2048x1024xf32>
    %mul3A_5 = arith.mulf %get3A_3, %mul3A_4 : vector<2048x1024xf32>
    %sub3A = arith.constant 43.2808495 : f32
    %sub3A_6 = vector.broadcast %sub3A : f32 to vector<2048x1024xf32>
    %sub3A_7 = arith.subf %mul3A_5, %sub3A_6 : vector<2048x1024xf32>
    %exp23A = math.exp2 %sub3A_7 : vector<2048x1024xf32>
    %ne3A = arith.constant 30 : i32
    %ne3A_8 = arith.cmpi ne, %arg0, %ne3A : i32
    %convert_element_type3A_9 = arith.extui %ne3A_8 : i1 to i32
    %cond3A_10 = arith.constant 0 : i32
    %cond3A_11 = arith.cmpi ne, %convert_element_type3A_9, %cond3A_10 : i32
    scf.if %cond3A_11 {
      %get3A_17 = arith.constant 0 : index
      %get3A_18 = arith.constant 0 : index
      %get3A_19 = vector.load %arg3[%get3A_17, %get3A_18] : memref<8x1024xf32, #tpu.memory_space<vmem>>, vector<1x1024xf32>
      %reduce_sum3A = arith.constant dense<0.000000e+00> : vector<1024xf32>
      %reduce_sum3A_20 = vector.multi_reduction <add>, %exp23A, %reduce_sum3A [0] : vector<2048x1024xf32> to vector<1024xf32>
      %broadcast_in_dim3A = vector.shape_cast %reduce_sum3A_20 : vector<1024xf32> to vector<1x1024xf32>
      %add3A = arith.addf %get3A_19, %broadcast_in_dim3A : vector<1x1024xf32>
      %swap3A = arith.constant 0 : index
      %swap3A_21 = arith.constant 0 : index
      %swap3A_22 = vector.load %arg3[%swap3A, %swap3A_21] : memref<8x1024xf32, #tpu.memory_space<vmem>>, vector<1x1024xf32>
      tpu.vector_store %arg3[%swap3A, %swap3A_21], %add3A {strides = array<i32>} : memref<8x1024xf32, #tpu.memory_space<vmem>>, vector<1x1024xf32>,
    } else {
    }
    %eq3A_12 = arith.constant 30 : i32
    %eq3A_13 = arith.cmpi eq, %arg0, %eq3A_12 : i32
    %convert_element_type3A_14 = arith.extui %eq3A_13 : i1 to i32
    %cond3A_15 = arith.constant 0 : i32
    %cond3A_16 = arith.cmpi ne, %convert_element_type3A_14, %cond3A_15 : i32
    scf.if %cond3A_16 {
      %iota3A = tpu.iota {dimensions = array<i32: 0>} : vector<2048x1024xi32>
      %add3A = arith.constant 18 : i32
      %add3A_17 = arith.addi %arg0, %add3A : i32
      %mul3A_18 = arith.constant 2048 : i32
      %mul3A_19 = arith.muli %add3A_17, %mul3A_18 : i32
      %add3A_20 = vector.broadcast %mul3A_19 : i32 to vector<2048x1024xi32>
      %add3A_21 = arith.addi %iota3A, %add3A_20 : vector<2048x1024xi32>
      %get3A_22 = arith.constant 0 : index
      %get3A_23 = arith.constant 0 : index
      %get3A_24 = vector.load %arg3[%get3A_22, %get3A_23] : memref<8x1024xf32, #tpu.memory_space<vmem>>, vector<1x1024xf32>
      %lt3A = arith.constant 100000 : i32
      %lt3A_25 = vector.broadcast %lt3A : i32 to vector<2048x1024xi32>
      %lt3A_26 = arith.cmpi slt, %add3A_21, %lt3A_25 : vector<2048x1024xi32>
      %jit3A = arith.constant 0.000000e+00 : f32
      %broadcast_in_dim3A = vector.broadcast %jit3A : f32 to vector<2048x1024xf32>
      %select_n3A = arith.select %lt3A_26, %exp23A, %broadcast_in_dim3A : vector<2048x1024xi1>, vector<2048x1024xf32>
      %reduce_sum3A = arith.constant dense<0.000000e+00> : vector<1024xf32>
      %reduce_sum3A_27 = vector.multi_reduction <add>, %select_n3A, %reduce_sum3A [0] : vector<2048x1024xf32> to vector<1024xf32>
      %broadcast_in_dim3A_28 = vector.shape_cast %reduce_sum3A_27 : vector<1024xf32> to vector<1x1024xf32>
      %add3A_29 = arith.addf %get3A_24, %broadcast_in_dim3A_28 : vector<1x1024xf32>
      %swap3A = arith.constant 0 : index
      %swap3A_30 = arith.constant 0 : index
      %swap3A_31 = vector.load %arg3[%swap3A, %swap3A_30] : memref<8x1024xf32, #tpu.memory_space<vmem>>, vector<1x1024xf32>
      tpu.vector_store %arg3[%swap3A, %swap3A_30], %add3A_29 {strides = array<i32>} : memref<8x1024xf32, #tpu.memory_space<vmem>>, vector<1x1024xf32>,
      %get3A_32 = arith.constant 0 : index
      %get3A_33 = arith.constant 0 : index
      %get3A_34 = vector.load %arg3[%get3A_32, %get3A_33] : memref<8x1024xf32, #tpu.memory_space<vmem>>, vector<1x1024xf32>
      %swap3A_35 = arith.constant 0 : index
      %swap3A_36 = arith.constant 0 : index
      %swap3A_37 = vector.load %arg2[%swap3A_35, %swap3A_36] : memref<1x1024xf32, #tpu.memory_space<vmem>>, vector<1x1024xf32>
      tpu.vector_store %arg2[%swap3A_35, %swap3A_36], %get3A_34 {strides = array<i32>} : memref<1x1024xf32, #tpu.memory_space<vmem>>, vector<1x1024xf32>,
    } else {
    }
    return
  }
  func.func @transform_0(%arg0: i32) -> (i32, i32) {
    %add3A = arith.constant 18 : i32
    %add3A_0 = arith.addi %arg0, %add3A : i32
    %c0_i32 = arith.constant 0 : i32
    %c0_i32_1 = arith.constant 0 : i32
    return %add3A_0, %c0_i32 : i32, i32
  }
  func.func @transform_1(%arg0: i32) -> (i32, i32) {
    %c0_i32 = arith.constant 0 : i32
    %c0_i32_0 = arith.constant 0 : i32
    %c0_i32_1 = arith.constant 0 : i32
    return %c0_i32, %c0_i32_0 : i32, i32
  }
}

module attributes {stable_mosaic.version = 14 : i64} {
  func.func @_epilogue_kernel(%arg0: memref<1x1024xf32, #tpu.memory_space<vmem>>, %arg1: memref<1x32768xf32, #tpu.memory_space<vmem>>, %arg2: memref<1x1024xf32, #tpu.memory_space<vmem>>, %arg3: memref<1x1024xf32, #tpu.memory_space<vmem>>, %arg4: memref<1x1xf32, #tpu.memory_space<vmem>>) attributes {dimension_semantics = [], scalar_prefetch = 0 : i64, scratch_operands = 0 : i64, tpu.core_type = #tpu.core_type<tc>} {
    %get3A = arith.constant 0 : index
    %get3A_0 = arith.constant 0 : index
    %get3A_1 = vector.load %arg2[%get3A, %get3A_0] : memref<1x1024xf32, #tpu.memory_space<vmem>>, vector<1x1024xf32>
    %mul3A = arith.constant 43.2808495 : f32
    %mul3A_2 = vector.broadcast %mul3A : f32 to vector<1x1024xf32>
    %mul3A_3 = arith.mulf %get3A_1, %mul3A_2 : vector<1x1024xf32>
    %sub3A = arith.constant 43.2808495 : f32
    %sub3A_4 = vector.broadcast %sub3A : f32 to vector<1x1024xf32>
    %sub3A_5 = arith.subf %mul3A_3, %sub3A_4 : vector<1x1024xf32>
    %exp23A = math.exp2 %sub3A_5 : vector<1x1024xf32>
    %jit3A = arith.constant -0.99999988 : f32
    %jit3A_6 = arith.constant 0.99999988 : f32
    %max3A = vector.broadcast %jit3A : f32 to vector<1x1024xf32>
    %max3A_7 = arith.maximumf %max3A, %get3A_1 : vector<1x1024xf32>
    %min3A = vector.broadcast %jit3A_6 : f32 to vector<1x1024xf32>
    %min3A_8 = arith.minimumf %min3A, %max3A_7 : vector<1x1024xf32>
    %mul3A_9 = arith.mulf %min3A_8, %min3A_8 : vector<1x1024xf32>
    %sub3A_10 = arith.constant 1.000000e+00 : f32
    %sub3A_11 = vector.broadcast %sub3A_10 : f32 to vector<1x1024xf32>
    %sub3A_12 = arith.subf %sub3A_11, %mul3A_9 : vector<1x1024xf32>
    %max3A_13 = arith.constant 0.000000e+00 : f32
    %max3A_14 = vector.broadcast %max3A_13 : f32 to vector<1x1024xf32>
    %max3A_15 = arith.maximumf %sub3A_12, %max3A_14 : vector<1x1024xf32>
    %sqrt3A = math.sqrt %max3A_15 : vector<1x1024xf32>
    %get3A_16 = arith.constant 0 : index
    %get3A_17 = arith.constant 0 : index
    %get3A_18 = vector.load %arg3[%get3A_16, %get3A_17] : memref<1x1024xf32, #tpu.memory_space<vmem>>, vector<1x1024xf32>
    %cos3A = math.cos %get3A_18 : vector<1x1024xf32>
    %mul3A_19 = arith.mulf %min3A_8, %cos3A : vector<1x1024xf32>
    %sin3A = math.sin %get3A_18 : vector<1x1024xf32>
    %mul3A_20 = arith.mulf %sqrt3A, %sin3A : vector<1x1024xf32>
    %sub3A_21 = arith.subf %mul3A_19, %mul3A_20 : vector<1x1024xf32>
    %mul3A_22 = arith.constant 3.000000e+01 : f32
    %mul3A_23 = vector.broadcast %mul3A_22 : f32 to vector<1x1024xf32>
    %mul3A_24 = arith.mulf %sub3A_21, %mul3A_23 : vector<1x1024xf32>
    %get3A_25 = arith.constant 0 : index
    %get3A_26 = arith.constant 0 : index
    %get3A_27 = vector.load %arg1[%get3A_25, %get3A_26] : memref<1x32768xf32, #tpu.memory_space<vmem>>, vector<1x1024xf32>
    %get3A_28 = arith.constant 0 : index
    %get3A_29 = arith.constant 1024 : index
    %get3A_30 = vector.load %arg1[%get3A_28, %get3A_29] : memref<1x32768xf32, #tpu.memory_space<vmem>>, vector<1x1024xf32>
    %add3A = arith.addf %get3A_27, %get3A_30 : vector<1x1024xf32>
    %get3A_31 = arith.constant 0 : index
    %get3A_32 = arith.constant 2048 : index
    %get3A_33 = vector.load %arg1[%get3A_31, %get3A_32] : memref<1x32768xf32, #tpu.memory_space<vmem>>, vector<1x1024xf32>
    %add3A_34 = arith.addf %add3A, %get3A_33 : vector<1x1024xf32>
    %get3A_35 = arith.constant 0 : index
    %get3A_36 = arith.constant 3072 : index
    %get3A_37 = vector.load %arg1[%get3A_35, %get3A_36] : memref<1x32768xf32, #tpu.memory_space<vmem>>, vector<1x1024xf32>
    %add3A_38 = arith.addf %add3A_34, %get3A_37 : vector<1x1024xf32>
    %get3A_39 = arith.constant 0 : index
    %get3A_40 = arith.constant 4096 : index
    %get3A_41 = vector.load %arg1[%get3A_39, %get3A_40] : memref<1x32768xf32, #tpu.memory_space<vmem>>, vector<1x1024xf32>
    %add3A_42 = arith.addf %add3A_38, %get3A_41 : vector<1x1024xf32>
    %get3A_43 = arith.constant 0 : index
    %get3A_44 = arith.constant 5120 : index
    %get3A_45 = vector.load %arg1[%get3A_43, %get3A_44] : memref<1x32768xf32, #tpu.memory_space<vmem>>, vector<1x1024xf32>
    %add3A_46 = arith.addf %add3A_42, %get3A_45 : vector<1x1024xf32>
    %get3A_47 = arith.constant 0 : index
    %get3A_48 = arith.constant 6144 : index
    %get3A_49 = vector.load %arg1[%get3A_47, %get3A_48] : memref<1x32768xf32, #tpu.memory_space<vmem>>, vector<1x1024xf32>
    %add3A_50 = arith.addf %add3A_46, %get3A_49 : vector<1x1024xf32>
    %get3A_51 = arith.constant 0 : index
    %get3A_52 = arith.constant 7168 : index
    %get3A_53 = vector.load %arg1[%get3A_51, %get3A_52] : memref<1x32768xf32, #tpu.memory_space<vmem>>, vector<1x1024xf32>
    %add3A_54 = arith.addf %add3A_50, %get3A_53 : vector<1x1024xf32>
    %get3A_55 = arith.constant 0 : index
    %get3A_56 = arith.constant 8192 : index
    %get3A_57 = vector.load %arg1[%get3A_55, %get3A_56] : memref<1x32768xf32, #tpu.memory_space<vmem>>, vector<1x1024xf32>
    %add3A_58 = arith.addf %add3A_54, %get3A_57 : vector<1x1024xf32>
    %get3A_59 = arith.constant 0 : index
    %get3A_60 = arith.constant 9216 : index
    %get3A_61 = vector.load %arg1[%get3A_59, %get3A_60] : memref<1x32768xf32, #tpu.memory_space<vmem>>, vector<1x1024xf32>
    %add3A_62 = arith.addf %add3A_58, %get3A_61 : vector<1x1024xf32>
    %get3A_63 = arith.constant 0 : index
    %get3A_64 = arith.constant 10240 : index
    %get3A_65 = vector.load %arg1[%get3A_63, %get3A_64] : memref<1x32768xf32, #tpu.memory_space<vmem>>, vector<1x1024xf32>
    %add3A_66 = arith.addf %add3A_62, %get3A_65 : vector<1x1024xf32>
    %get3A_67 = arith.constant 0 : index
    %get3A_68 = arith.constant 11264 : index
    %get3A_69 = vector.load %arg1[%get3A_67, %get3A_68] : memref<1x32768xf32, #tpu.memory_space<vmem>>, vector<1x1024xf32>
    %add3A_70 = arith.addf %add3A_66, %get3A_69 : vector<1x1024xf32>
    %get3A_71 = arith.constant 0 : index
    %get3A_72 = arith.constant 12288 : index
    %get3A_73 = vector.load %arg1[%get3A_71, %get3A_72] : memref<1x32768xf32, #tpu.memory_space<vmem>>, vector<1x1024xf32>
    %add3A_74 = arith.addf %add3A_70, %get3A_73 : vector<1x1024xf32>
    %get3A_75 = arith.constant 0 : index
    %get3A_76 = arith.constant 13312 : index
    %get3A_77 = vector.load %arg1[%get3A_75, %get3A_76] : memref<1x32768xf32, #tpu.memory_space<vmem>>, vector<1x1024xf32>
    %add3A_78 = arith.addf %add3A_74, %get3A_77 : vector<1x1024xf32>
    %get3A_79 = arith.constant 0 : index
    %get3A_80 = arith.constant 14336 : index
    %get3A_81 = vector.load %arg1[%get3A_79, %get3A_80] : memref<1x32768xf32, #tpu.memory_space<vmem>>, vector<1x1024xf32>
    %add3A_82 = arith.addf %add3A_78, %get3A_81 : vector<1x1024xf32>
    %get3A_83 = arith.constant 0 : index
    %get3A_84 = arith.constant 15360 : index
    %get3A_85 = vector.load %arg1[%get3A_83, %get3A_84] : memref<1x32768xf32, #tpu.memory_space<vmem>>, vector<1x1024xf32>
    %add3A_86 = arith.addf %add3A_82, %get3A_85 : vector<1x1024xf32>
    %get3A_87 = arith.constant 0 : index
    %get3A_88 = arith.constant 16384 : index
    %get3A_89 = vector.load %arg1[%get3A_87, %get3A_88] : memref<1x32768xf32, #tpu.memory_space<vmem>>, vector<1x1024xf32>
    %add3A_90 = arith.addf %add3A_86, %get3A_89 : vector<1x1024xf32>
    %get3A_91 = arith.constant 0 : index
    %get3A_92 = arith.constant 17408 : index
    %get3A_93 = vector.load %arg1[%get3A_91, %get3A_92] : memref<1x32768xf32, #tpu.memory_space<vmem>>, vector<1x1024xf32>
    %add3A_94 = arith.addf %add3A_90, %get3A_93 : vector<1x1024xf32>
    %get3A_95 = arith.constant 0 : index
    %get3A_96 = arith.constant 18432 : index
    %get3A_97 = vector.load %arg1[%get3A_95, %get3A_96] : memref<1x32768xf32, #tpu.memory_space<vmem>>, vector<1x1024xf32>
    %add3A_98 = arith.addf %add3A_94, %get3A_97 : vector<1x1024xf32>
    %get3A_99 = arith.constant 0 : index
    %get3A_100 = arith.constant 19456 : index
    %get3A_101 = vector.load %arg1[%get3A_99, %get3A_100] : memref<1x32768xf32, #tpu.memory_space<vmem>>, vector<1x1024xf32>
    %add3A_102 = arith.addf %add3A_98, %get3A_101 : vector<1x1024xf32>
    %get3A_103 = arith.constant 0 : index
    %get3A_104 = arith.constant 20480 : index
    %get3A_105 = vector.load %arg1[%get3A_103, %get3A_104] : memref<1x32768xf32, #tpu.memory_space<vmem>>, vector<1x1024xf32>
    %add3A_106 = arith.addf %add3A_102, %get3A_105 : vector<1x1024xf32>
    %get3A_107 = arith.constant 0 : index
    %get3A_108 = arith.constant 21504 : index
    %get3A_109 = vector.load %arg1[%get3A_107, %get3A_108] : memref<1x32768xf32, #tpu.memory_space<vmem>>, vector<1x1024xf32>
    %add3A_110 = arith.addf %add3A_106, %get3A_109 : vector<1x1024xf32>
    %get3A_111 = arith.constant 0 : index
    %get3A_112 = arith.constant 22528 : index
    %get3A_113 = vector.load %arg1[%get3A_111, %get3A_112] : memref<1x32768xf32, #tpu.memory_space<vmem>>, vector<1x1024xf32>
    %add3A_114 = arith.addf %add3A_110, %get3A_113 : vector<1x1024xf32>
    %get3A_115 = arith.constant 0 : index
    %get3A_116 = arith.constant 23552 : index
    %get3A_117 = vector.load %arg1[%get3A_115, %get3A_116] : memref<1x32768xf32, #tpu.memory_space<vmem>>, vector<1x1024xf32>
    %add3A_118 = arith.addf %add3A_114, %get3A_117 : vector<1x1024xf32>
    %get3A_119 = arith.constant 0 : index
    %get3A_120 = arith.constant 24576 : index
    %get3A_121 = vector.load %arg1[%get3A_119, %get3A_120] : memref<1x32768xf32, #tpu.memory_space<vmem>>, vector<1x1024xf32>
    %add3A_122 = arith.addf %add3A_118, %get3A_121 : vector<1x1024xf32>
    %get3A_123 = arith.constant 0 : index
    %get3A_124 = arith.constant 25600 : index
    %get3A_125 = vector.load %arg1[%get3A_123, %get3A_124] : memref<1x32768xf32, #tpu.memory_space<vmem>>, vector<1x1024xf32>
    %add3A_126 = arith.addf %add3A_122, %get3A_125 : vector<1x1024xf32>
    %get3A_127 = arith.constant 0 : index
    %get3A_128 = arith.constant 26624 : index
    %get3A_129 = vector.load %arg1[%get3A_127, %get3A_128] : memref<1x32768xf32, #tpu.memory_space<vmem>>, vector<1x1024xf32>
    %add3A_130 = arith.addf %add3A_126, %get3A_129 : vector<1x1024xf32>
    %get3A_131 = arith.constant 0 : index
    %get3A_132 = arith.constant 27648 : index
    %get3A_133 = vector.load %arg1[%get3A_131, %get3A_132] : memref<1x32768xf32, #tpu.memory_space<vmem>>, vector<1x1024xf32>
    %add3A_134 = arith.addf %add3A_130, %get3A_133 : vector<1x1024xf32>
    %get3A_135 = arith.constant 0 : index
    %get3A_136 = arith.constant 28672 : index
    %get3A_137 = vector.load %arg1[%get3A_135, %get3A_136] : memref<1x32768xf32, #tpu.memory_space<vmem>>, vector<1x1024xf32>
    %add3A_138 = arith.addf %add3A_134, %get3A_137 : vector<1x1024xf32>
    %get3A_139 = arith.constant 0 : index
    %get3A_140 = arith.constant 29696 : index
    %get3A_141 = vector.load %arg1[%get3A_139, %get3A_140] : memref<1x32768xf32, #tpu.memory_space<vmem>>, vector<1x1024xf32>
    %add3A_142 = arith.addf %add3A_138, %get3A_141 : vector<1x1024xf32>
    %get3A_143 = arith.constant 0 : index
    %get3A_144 = arith.constant 30720 : index
    %get3A_145 = vector.load %arg1[%get3A_143, %get3A_144] : memref<1x32768xf32, #tpu.memory_space<vmem>>, vector<1x1024xf32>
    %add3A_146 = arith.addf %add3A_142, %get3A_145 : vector<1x1024xf32>
    %get3A_147 = arith.constant 0 : index
    %get3A_148 = arith.constant 31744 : index
    %get3A_149 = vector.load %arg1[%get3A_147, %get3A_148] : memref<1x32768xf32, #tpu.memory_space<vmem>>, vector<1x1024xf32>
    %add3A_150 = arith.addf %add3A_146, %get3A_149 : vector<1x1024xf32>
    %get3A_151 = arith.constant 0 : index
    %get3A_152 = arith.constant 0 : index
    %get3A_153 = vector.load %arg0[%get3A_151, %get3A_152] : memref<1x1024xf32, #tpu.memory_space<vmem>>, vector<1x1024xf32>
    %add3A_154 = arith.addf %get3A_153, %add3A_150 : vector<1x1024xf32>
    %sub3A_155 = arith.subf %add3A_154, %exp23A : vector<1x1024xf32>
    %mul3A_156 = arith.constant 1.44269502 : f32
    %mul3A_157 = vector.broadcast %mul3A_156 : f32 to vector<1x1024xf32>
    %mul3A_158 = arith.mulf %mul3A_24, %mul3A_157 : vector<1x1024xf32>
    %sub3A_159 = arith.constant 43.2808495 : f32
    %sub3A_160 = vector.broadcast %sub3A_159 : f32 to vector<1x1024xf32>
    %sub3A_161 = arith.subf %mul3A_158, %sub3A_160 : vector<1x1024xf32>
    %exp23A_162 = math.exp2 %sub3A_161 : vector<1x1024xf32>
    %add3A_163 = arith.addf %sub3A_155, %exp23A_162 : vector<1x1024xf32>
    %log3A = math.log %add3A_163 : vector<1x1024xf32>
    %add3A_164 = arith.constant 3.000000e+01 : f32
    %add3A_165 = vector.broadcast %add3A_164 : f32 to vector<1x1024xf32>
    %add3A_166 = arith.addf %log3A, %add3A_165 : vector<1x1024xf32>
    %sub3A_167 = arith.subf %add3A_166, %mul3A_24 : vector<1x1024xf32>
    %reduce_sum3A = arith.constant dense<0.000000e+00> : vector<1xf32>
    %reduce_sum3A_168 = vector.multi_reduction <add>, %sub3A_167, %reduce_sum3A [1] : vector<1x1024xf32> to vector<1xf32>
    %broadcast_in_dim3A = vector.shape_cast %reduce_sum3A_168 : vector<1xf32> to vector<1x1xf32>
    %div3A = arith.constant 1.024000e+03 : f32
    %div3A_169 = vector.broadcast %div3A : f32 to vector<1x1xf32>
    %div3A_170 = arith.divf %broadcast_in_dim3A, %div3A_169 : vector<1x1xf32>
    %swap3A = arith.constant 0 : index
    %swap3A_171 = arith.constant 0 : index
    %swap3A_172 = vector.load %arg4[%swap3A, %swap3A_171] : memref<1x1xf32, #tpu.memory_space<vmem>>, vector<1x1xf32>
    tpu.vector_store %arg4[%swap3A, %swap3A_171], %div3A_170 {strides = array<i32>} : memref<1x1xf32, #tpu.memory_space<vmem>>, vector<1x1xf32>,
    return
  }
}

</mosaic_0001>

<sc_bundles>
// kernel: kernel.5.cloned.1.call-start
scs
__scs_entry_jumppad:
0x0: {  	(pc) =	sbr.rel $0x88, $3  }
0x1: {  	(tag) =	ssettag $0x0;
	lr =	simm.s32 $0x1  }
0x2: {  	[smem:$0x3F9F] =	sst lr;
	_ =	strace $0xD0000000  }
0x3: {  	_ = 	snop  }
0x4: {  	_ = 	snop  }
0x5: {  	_ = 	snop  }
0x6: {  	_ = 	snop  }
0x7: {  	_ = 	snop  }
__scs_overlays_trampoline_lowered:
0x8: {  	[smem:$0x3FAE] =	sst s0  }
0x9: {  	[smem:$0x3FAF] =	sst s1  }
0xa: {  	[smem:$0x3FB0] =	sst s2  }
0xb: {  	[smem:$0x3FB1] =	sst s3  }
0xc: {  	[smem:$0x3FB2] =	sst s4  }
0xd: {  	[smem:$0x3FB3] =	sst s5  }
0xe: {  	[smem:$0x3FB4] =	sst s6  }
0xf: {  	[smem:$0x3FB5] =	sst s7  }
0x10: {  	[smem:$0x3FB6] =	sst s8  }
0x11: {  	[smem:$0x3FB7] =	sst s9;
	s0 =	simm.s32 @!p0 $0x0  }
0x12: {  	s1 =	sld [smem:$0x3F9D];
	s0 =	simm.s32 @p0 $0x1  }
0x13: {  	[smem:$0x3FB8] =	sst s0;
	s0 =	simm.s32 @!p1 $0x0  }
0x14: {  	s2 =	sld [smem:$0x3F9C];
	s0 =	simm.s32 @p1 $0x1  }
0x15: {  	[smem:$0x3FB9] =	sst s0;
	s0 =	simm.s32 @!p2 $0x0  }
0x16: {  	s3 =	sld [smem:$0x3FDB];
	s0 =	simm.s32 @p2 $0x1  }
0x17: {  	s4 =	simm.s32 $0x1BF5;
	[smem:$0x3FBB] =	sst s0  }
0x18: {  	s0 =	sld [smem:$0x3F9E];
	_ =	swait.ge [sflag:s4], $0x0  }
0x19: {  	s7 =	sld [smem:$0x3F9F]  }
0x1a: {  	s8 =	sadd.s32 $0xFFFFE003, lr  }
0x1b: {  	s9 =	sadd.s32 $0xFFFFFEF7, lr;
	s5 =	simm.s32 $0xFFFFFFFF;
	p2 =	slt.u32 s8, $0xFFFFF086  }
0x1c: {  	p1 =	slt.u32 s9, $0xF7A;
	s5 =	simm.s32 @!p2 $0x0  }
0x1d: {  	s5 =	simm.s32 @p1 $0x1;
	p0 =	seq.s32 s7, s2  }
0x1e: {  	s7 =	smul.u32 @!p0 $0xF7A, s2;
	p2 =	seq.s32 @!p0 s5, $0x0  }
0x1f: {  	s9 =	smul.u32 $0xF7A, s1;
	s8 =	simm.s32 @!p0 $0x1BF5;
	p2 =	por !p2, p0  }
0x20: {  	[sflag:s8] =	ssyncset.s32 @!p0 $0xFFFFF086;
	s6 =	sadd.s32 @!p0 s3, s7;
	s7 =	simm.s32 @!p0 $0x108  }
0x21: {  	s3 =	sadd.s32 s3, s9;
	s6 =	sadd.s32 @!p0 $0x88, s6;
	s7 =	simm.s32 @p2 $0x1082  }
0x22: {  	[simem:s7], [sflag:s8] =	dma.local @!p0 [hbm:s6], $0xF7A  }
0x23: {  	s9 =	sor.u32 $0xD0000000, s2;
	s6 =	simm.s32 $0x108;
	_ =	swait.ge @!p0 [sflag:s8], $0x0  }
0x24: {  	s3 =	sadd.s32 $0x88, s3;
	s6 =	simm.s32 @!p1 $0x1082;
	[sflag:s4] =	ssyncset.s32 $0xFFFFF086  }
0x25: {  	[simem:s6], [sflag:s4] =	dma.local [hbm:s3], $0xF7A  }
0x26: {  	[smem:$0x3F9F] =	sst s1;
	(tag) =	ssettag s2;
	_ =	strace s9  }
0x27: {  	s1 =	sld [smem:$0x3FAF]  }
0x28: {  	s2 =	sld [smem:$0x3FB0]  }
0x29: {  	s4 =	sld [smem:$0x3FB2]  }
0x2a: {  	p0 =	seq.s32 s5, $0x0;
	s5 =	sld [smem:$0x3FB3]  }
0x2b: {  	s6 =	sld [smem:$0x3FB4]  }
0x2c: {  	s7 =	sld [smem:$0x3FB5]  }
0x2d: {  	s3 =	simm.s32 $0x108;
	s8 =	sld [smem:$0x3FB6]  }
0x2e: {  	s3 =	simm.s32 @!p0 $0x1082;
	s9 =	sld [smem:$0x3FB7]  }
0x2f: {  	lr =	sadd.s32 s0, s3;
	s0 =	sld [smem:$0x3FAE]  }
0x30: {  	s3 =	sld [smem:$0x3FB1]  }
0x31: {  	[smem:$0x3FBA] =	sst s10  }
0x32: {  	s10 =	sld [smem:$0x3FB8];
	_ =	sdelay $0x3  }
0x33: {  	p0 =	seq.s32 s10, $0x1;
	s10 =	sld [smem:$0x3FBA];
	_ =	sdelay $0x3  }
0x34: {  	[smem:$0x3FBA] =	sst s10  }
0x35: {  	s10 =	sld [smem:$0x3FB9];
	_ =	sdelay $0x3  }
0x36: {  	p1 =	seq.s32 s10, $0x1;
	s10 =	sld [smem:$0x3FBA];
	_ =	sdelay $0x3  }
0x37: {  	[smem:$0x3FBA] =	sst s10  }
0x38: {  	s10 =	sld [smem:$0x3FBB]  }
0x39: {  	_ = 	snop;
	(pc) =	sbr.ind lr, $3  }
0x3a: {  	_ = 	snop  }
0x3b: {  	_ = 	snop  }
0x3c: {  	p2 =	seq.s32 s10, $0x1;
	s10 =	sld [smem:$0x3FBA]  }
0x3d: {  	_ =	shalt  }
0x3e: {  	_ =	shalt  }
0x3f: {  	_ =	shalt  }
0x40: {  	_ =	shalt  }
0x41: {  	_ =	shalt  }
0x42: {  	_ =	shalt  }
0x43: {  	_ =	shalt  }
0x44: {  	_ =	shalt  }
0x45: {  	_ =	shalt  }
0x46: {  	_ =	shalt  }
0x47: {  	_ =	shalt  }
0x48: {  	_ =	shalt  }
0x49: {  	_ =	shalt  }
0x4a: {  	_ =	shalt  }
0x4b: {  	_ =	shalt  }
0x4c: {  	_ =	shalt  }
0x4d: {  	_ =	shalt  }
0x4e: {  	_ =	shalt  }
0x4f: {  	_ =	shalt  }
0x50: {  	_ =	shalt  }
0x51: {  	_ =	shalt  }
0x52: {  	_ =	shalt  }
0x53: {  	_ =	shalt  }
0x54: {  	_ =	shalt  }
0x55: {  	_ =	shalt  }
0x56: {  	_ =	shalt  }
0x57: {  	_ =	shalt  }
0x58: {  	_ =	shalt  }
0x59: {  	_ =	shalt  }
0x5a: {  	_ =	shalt  }
0x5b: {  	_ =	shalt  }
0x5c: {  	_ =	shalt  }
0x5d: {  	_ =	shalt  }
0x5e: {  	_ =	shalt  }
0x5f: {  	_ =	shalt  }
0x60: {  	_ =	shalt  }
0x61: {  	_ =	shalt  }
0x62: {  	_ =	shalt  }
0x63: {  	_ =	shalt  }
0x64: {  	_ =	shalt  }
0x65: {  	_ =	shalt  }
0x66: {  	_ =	shalt  }
0x67: {  	_ =	shalt  }
0x68: {  	_ =	shalt  }
0x69: {  	_ =	shalt  }
0x6a: {  	_ =	shalt  }
0x6b: {  	_ =	shalt  }
0x6c: {  	_ =	shalt  }
0x6d: {  	_ =	shalt  }
0x6e: {  	_ =	shalt  }
0x6f: {  	_ =	shalt  }
0x70: {  	_ =	shalt  }
0x71: {  	_ =	shalt  }
0x72: {  	_ =	shalt  }
0x73: {  	_ =	shalt  }
0x74: {  	_ =	shalt  }
0x75: {  	_ =	shalt  }
0x76: {  	_ =	shalt  }
0x77: {  	_ =	shalt  }
0x78: {  	_ =	shalt  }
0x79: {  	_ =	shalt  }
0x7a: {  	_ =	shalt  }
0x7b: {  	_ =	shalt  }
0x7c: {  	_ =	shalt  }
0x7d: {  	_ =	shalt  }
0x7e: {  	_ =	shalt  }
0x7f: {  	_ =	shalt  }
0x80: {  	_ =	shalt  }
0x81: {  	_ =	shalt  }
0x82: {  	_ =	shalt  }
0x83: {  	_ =	shalt  }
0x84: {  	_ =	shalt  }
0x85: {  	_ =	shalt  }
0x86: {  	_ =	shalt  }
0x87: {  	_ =	shalt  }
.Lfunc_end0:
.L_simem_size_0:
called_computation_lowered:
.L_overlay_start_0:
0x88: {  	s2 =	sld [smem:$0x3FD9]  }
0x89: {  	s3 =	sld [smem:$0x3FFE];
	_ =	sdelay $0x1  }
0x8a: {  	s1 =	srdreg.scid  }
0x8b: {  	s0 =	sand.u32 $0x1, s1  }
0x8c: {  	s17 =	sshll.u32 s0, $0xA;
	s2 =	sadd.s32 s3, s2  }
0x8d: {  	s2 =	sadd.s32 s2, s17  }
0x8e: {  	[smem:$0x3FC6] =	sst s2  }
0x8f: {  	_ = 	snop  }
0x90: {  	s2 =	sld [smem:$0x3FC9];
	(tm) =	ssettm $0x1  }
0x91: {  	s18 =	sld [smem:$0x3FFB];
	_ =	sdelay $0x3  }
0x92: {  	_ =	strace s18  }
0x93: {  	s3 =	sld [smem:$0x3FFC];
	_ =	sdelay $0x3  }
0x94: {  	_ =	strace s3  }
0x95: {  	s3 =	sld [smem:$0x3FFD];
	_ =	sdelay $0x3  }
0x96: {  	_ =	strace s3  }
0x97: {  	_ =	strace $0x8FFFFFFF  }
0x98: {  	s19 =	sld [smem:$0x3FDB];
	_ =	sdelay $0x1  }
0x99: {  	s4 =	simm.s32 $_scs_section_size  }
0x9a: {  	s5 =	simm.s32 $_size__tile_overlayer_lowered;
	s6 =	simm.s32 $_tile_overlayer_lowered  }
0x9b: {  	s22 =	simm.s32 $0x1BFF;
	s21 =	sshll.u32 s6, $0x1;
	s3 =	sadd.s32 s4, s19  }
0x9c: {  	s7 =	simm.s32 $0x0;
	s20 =	sshll.u32 s5, $0x1;
	s5 =	sadd.s32 s21, s3  }
0x9d: {  	[timem:s7], [sflag:s22] =	dma.local [hbm:s5], s20  }
0x9e: {  	_ =	swait.ge [sflag:s22], s20  }
0x9f: {  	s4 =	ssub.s32 $0x0, s20;
	[sflag:s22] =	ssyncset.done $0x0  }
0xa0: {  	[sflag:s22] =	ssyncadd.s32 s4;
	_ =	sdelay $0x1  }
0xa1: {  	s23 =	simm.s32 $0x1B8B  }
0xa2: {  	_ =	swait.ge [sflag:s23], $0x1  }
0xa3: {  	[sflag:s23] =	ssyncset.done $0x0  }
0xa4: {  	s25 =	simm.s32 $0x1B8E;
	s24 =	sld [smem:$0x3FFE];
	[sflag:s23] =	ssyncadd.s32 $0xFFFFFFFF  }
0xa5: {  	s26 =	simm.s32 $execute0_lowered;
	[smem:$0x3FD2] =	sst s25  }
0xa6: {  	s5 =	sshll.u32 s26, $0x1;
	_ =	strace $0x80000046;
	[dreg:$0x1] =	wrdreg $0xFFFFFFFF  }
0xa7: {  	s28 =	simm.s32 $_size_execute0_lowered;
	s3 =	sadd.s32 s3, s5;
	[dreg:$0x0] =	wrdreg $0x0  }
0xa8: {  	s5 =	sshll.u32 s28, $0x1;
	[dreg:$0x2] =	wrdreg s3  }
0xa9: {  	[dreg:$0x3] =	wrdreg s5  }
0xaa: {  	[dreg:$0x4] =	wrdreg $0xC0  }
0xab: {  	_ =	task [dreg:s7], $0x5FFFF  }
0xac: {  	[dreg:$0x1] =	wrdreg $0xFFFFFFFF  }
0xad: {  	[dreg:$0x0] =	wrdreg $0x60  }
0xae: {  	[dreg:$0x2] =	wrdreg s2  }
0xaf: {  	[dreg:$0x3] =	wrdreg s24  }
0xb0: {  	[dreg:$0x4] =	wrdreg $0x9  }
0xb1: {  	_ =	task.clear_ibuf [dreg:s7], $0x5FFFF;
	_ =	strace $0x90000046  }
0xb2: {  	s29 =	simm.s32 $0x9;
	_ =	strace $0x80000048  }
0xb3: {  	_ =	swait.ge [sflag:s29], $0x1  }
0xb4: {  	[sflag:s29] =	ssyncadd.s32 $0xFFFFFFFF  }
0xb5: {  	_ =	strace $0x90000048  }
0xb6: {  	_ =	sfence  }
0xb7: {  	s30 =	sld [smem:$0x0];
	_ =	sdelay $0x2  }
0xb8: {  	s31 =	sshll.u32 s1, $0xD;
	s1 =	sshrl.u32 s1, $0x2  }
0xb9: {  	s3 =	sand.u32 $0x4000, s31;
	s1 =	sadd.s32 s1, s30  }
0xba: {  	s0 =	sor.u32 s3, s0;
	s1 =	sshll.u32 s1, $0x11  }
0xbb: {  	s0 =	sor.u32 s1, s0  }
0xbc: {  	s0 =	sadd.s32 $0x8F2B, s0  }
0xbd: {  	[sflag:s0] =	ssyncadd.remote.s32 $0x1  }
0xbe: {  	_ =	sfence.sel $0xFFFF  }
0xbf: {  	[dreg:$0x0] =	wrdreg $0xFFFFFFFF;
	(pc) =	sbr.abs _section_cstart, $3  }
0xc0: {  	[dreg:$0x1] =	wrdreg $0xFFFFFFFF  }
0xc1: {  	_ =	task.clear_ibuf [dreg:s7], $0x2FFFF;
	_ =	strace $0x9FFFFFFF  }
0xc2: {  	(tm) =	ssettm $0x7FFFFFFF  }
0xc3: {  	_ =	shalt  }
tec
execute0_lowered:
.L_overlay_start_1:
0x0: {  	(tag) =	ssettag $0x1  }
0x1: {  	s1 =	rddreg [dreg:$0x0]  }
0x2: {  	s0 =	rddreg [dreg:$0x1];
	s3 =	simm.s32 $0x0;
	s4 =	srdreg.scid  }
0x3: {  	s2 =	stileid.u32;
	s15 =	simm.s32 $0x4;
	s18 =	simm.s32 $0x3  }
0x4: {  	s19 =	simm.s32 $0x18500;
	s20 =	simm.s32 $0x0;
	[smem:$0x7FF] =	sst s3  }
0x5: {  	s11 =	sand.u32 $0x1, s4;
	s28 =	sshll.u32 s2, $0x1;
	s14 =	sshll.u32 s2, $0x6  }
0x6: {  	_ =	strace $0x80000047;
	s8 =	sor.u32 s11, s28;
	s6 =	ssub.s32 $0x2, s11  }
0x7: {  	s30 =	sshll.u32 s11, $0x5;
	s4 =	sshll.u32 s8, $0x7;
	s7 =	smul.u32 $0x24000, s8  }
0x8: {  	s5 =	sshll.u32 s8, $0x2;
	s29 =	sshrl.u32 s6, $0x1;
	s8 =	smul.u32 $0x120000, s8  }
0x9: {  	s9 =	sadd.s32 s4, s0;
	s0 =	sadd.s32 s5, s0;
	s4 =	sshrl.u32 s2, $0x1  }
0xa: {  	s12 =	ssub.s32 s6, s29;
	s13 =	sshll.u32 s4, $0x7;
	s5 =	sadd.s32 $0x1200, s0  }
0xb: {  	s6 =	sadd.s32 $0x1000, s0;
	s7 =	sadd.s32 s1, s7;
	s9 =	sadd.s32 $0x1400, s9  }
0xc: {  	s10 =	sadd.s32 $0x2400, s0;
	s0 =	sor.u32 s30, s14;
	s31 =	ssub.s32 s13, s30  }
0xd: {  	v0 =	vlaneseq.u32;
	v1 =	vimm.f32 $0.0e+00;
	vm0 =	vmxor vm0, vm0;
	s11 =	smax.u32 s12, $0x1;
	s13 =	ssub.s32 s0, s13;
	s12 =	ssub.s32 s31, s14  }
.LBB2_1:
0xe: {  	s0 =	simm.s32 $0x10400  }
0xf: {  	[tilespmem:s0], [sflag:$0x4] =	stream.linear.gather [hbm4b:s5+s3], $0x20, $0x38;
	[tilespmem:$0x18580] =	vst v63  }
0x10: {  	_ =	swait.ge [sflag:s15], $0x20  }
0x11: {  	[sflag:s15] =	ssyncset.done $0x0  }
0x12: {  	s26 =	simm.s32 $0x10480;
	[sflag:s15] =	ssyncadd.s32 $0xFFFFFFE0  }
0x13: {  	[tilespmem:s26], [sflag:$0x4] =	stream.linear.gather [hbm4b:s6+s3], $0x20, $0x38;
	[tilespmem:$0x18580] =	vst v63  }
0x14: {  	_ =	swait.ge [sflag:s15], $0x20  }
0x15: {  	s28 =	sand.u32 $0x40, s3;
	[sflag:s15] =	ssyncset.done $0x0  }
0x16: {  	s0 =	sshrl.u32 s28, $0x2;
	[sflag:s15] =	ssyncadd.s32 $0xFFFFFFE0  }
0x17: {  	v2 =	vld [tilespmem:s0+$0x10400];
	_ =	sdelay $0x1  }
0x18: {  	s29 =	sand.u32 $0xF, s3  }
0x19: {  	v3 =	vmov s29  }
0x1a: {  	vm1 =	veq.s32 v3, v0  }
0x1b: {  	v2 =	vnsel vm1, $0x0, v2  }
0x1c: {  	(xrf2) =	vadd.scan.msk.f32 $0xffff, v2;
	_ =	sdelay $0x9  }
0x1d: {  	v2, _, _ =	vpop (xrf2)  }
0x1e: {  	(v2sf) =	vpush v2, $0xF;
	_ =	sdelay $0xe  }
0x1f: {  	s30 =	spop (v2sf)  }
0x20: {  	s0 =	scvt.f32.s32 s30;
	_ =	sdelay $0x1  }
0x21: {  	s0 =	sand.u32 $0x1FFFF8, s0  }
0x22: {  	s22 =	simm.s32 $0x4;
	s0 =	sor.u32 s4, s0  }
0x23: {  	s23 =	sand.u32 $0x40, s22;
	s0 =	sshll.u32 s0, $0x7  }
0x24: {  	s21 =	simm.s32 $0x10500;
	s31 =	sshrl.u32 s23, $0x2;
	s0 =	sadd.s32 s1, s0  }
0x25: {  	[tilespmem:s21], [sflag:$0x3] =	stream.linear.gather [hbm4b:s0+s3], $0x400, $0x38;
	[tilespmem:$0x18580] =	vst v63  }
0x26: {  	s24 =	simm.s32 $0x2;
	s23 =	simm.s32 $0x1;
	v2 =	vld [tilespmem:s31+$0x10400]  }
.LBB2_2:
0x27: {  	p0 =	sne.s32 s24, $0x1F  }
0x28: {  	s0 =	sand.u32 $0xF, s23;
	s23 =	smov.u32 s24  }
0x29: {  	v3 =	vmov s0  }
0x2a: {  	vm1 =	veq.s32 v3, v0  }
0x2b: {  	v2 =	vnsel vm1, $0x0, v2  }
0x2c: {  	(xrf2) =	vadd.scan.msk.f32 $0xffff, v2;
	_ =	sdelay $0x9  }
0x2d: {  	v2, _, _ =	vpop (xrf2)  }
0x2e: {  	(v2sf) =	vpush v2, $0xF;
	_ =	sdelay $0xe  }
0x2f: {  	s0 =	spop (v2sf)  }
0x30: {  	s0 =	scvt.f32.s32 s0;
	_ =	sdelay $0x1  }
0x31: {  	s0 =	sand.u32 $0x1FFFF8, s0  }
.Ltmp0:
0x32: {  	s22 =	sadd.s32 $0x4, s22;
	s0 =	sor.u32 s4, s0;
	(pc) =	sbr.rel @p0 .LBB2_2-.Ltmp0, $4  }
0x33: {  	s21 =	sadd.s32 $0x400, s21;
	s25 =	sand.u32 $0x40, s22;
	s0 =	sshll.u32 s0, $0x7  }
0x34: {  	s25 =	sshrl.u32 s25, $0x2;
	s26 =	sadd.s32 s1, s0;
	s0 =	simm.s32 $0x0  }
0x35: {  	[tilespmem:s21], [sflag:$0x3] =	stream.linear.gather [hbm4b:s26+s0], $0x400, $0x38;
	[tilespmem:$0x18580] =	vst v63  }
0x36: {  	s24 =	sadd.s32 $0x1, s24;
	v2 =	vld [tilespmem:s25+$0x10400]  }
0x37: {  	_ = 	snop  }
0x38: {  	s22 =	sand.u32 $0xF, s23  }
0x39: {  	v3 =	vmov s22  }
0x3a: {  	vm1 =	veq.s32 v3, v0  }
0x3b: {  	v2 =	vnsel vm1, $0x0, v2  }
0x3c: {  	(xrf2) =	vadd.scan.msk.f32 $0xffff, v2;
	_ =	sdelay $0x9  }
0x3d: {  	v2, _, _ =	vpop (xrf2)  }
0x3e: {  	(v2sf) =	vpush v2, $0xF;
	_ =	sdelay $0xe  }
0x3f: {  	s31 =	spop (v2sf)  }
0x40: {  	s22 =	scvt.f32.s32 s31;
	_ =	sdelay $0x1  }
0x41: {  	p0 =	por $0x1, $0x1;
	s22 =	sand.u32 $0x1FFFF8, s22  }
.Ltmp1:
0x42: {  	s22 =	sor.u32 s4, s22;
	(pc) =	sbr.rel @!p0 .LBB2_5-.Ltmp1, $4  }
0x43: {  	s22 =	sshll.u32 s22, $0x7  }
0x44: {  	s21 =	sadd.s32 $0x400, s21;
	s22 =	sadd.s32 s1, s22  }
0x45: {  	[tilespmem:s21], [sflag:$0x3] =	stream.linear.gather [hbm4b:s22+s0], $0x400, $0x38;
	[tilespmem:$0x18580] =	vst v63  }
0x46: {  	s0 =	simm.s32 $0x40;
	s21 =	simm.s32 $0x0  }
.LBB2_4:
0x47: {  	p0 =	sne.s32 s0, $0xFC0;
	[tilespmem:s21+$0x10000] =	vst v1;
	s21 =	smov.u32 s0;
	s0 =	sadd.s32 $0x40, s0  }
.Ltmp2:
0x48: {  	(pc) =	sbr.rel @p0 .LBB2_4-.Ltmp2, $2  }
0x49: {  	_ =	sdelay $0x2  }
0x4a: {  	s21 =	sshra.s32 s21, $0x2  }
.LBB2_5:
0x4b: {  	[tilespmem:s21+$0x10000] =	vst v1;
	s21 =	simm.s32 $0x0;
	p0 =	por $0x0, $0x0  }
0x4c: {  	[tilespmem:s21], [sflag:$0x1] =	stream.linear.gather [hbm4b:s7+s21], $0x8000, $0x38;
	[tilespmem:$0x18580] =	vst v63  }
.LBB2_7:
0x4d: {  	s0 =	smov.u32 s21  }
0x4e: {  	s21 =	sadd.s32 $0x1, s21;
	p1 =	seq.s32 s0, $0x23  }
0x4f: {  	s23 =	simm.s32 $0x1;
	s0 =	sand.u32 $0x1, s0;
	s22 =	sshll.u32 @!p1 s21, $0xF  }
0x50: {  	s23 =	simm.s32 @!p0 $0x0;
	s24 =	sand.u32 @!p1 $0x1, s21;
	s22 =	sadd.s32 @!p1 s8, s22  }
0x51: {  	s26 =	simm.s32 @!p1 $0x0;
	s0 =	sadd.s32 $0x1, s0;
	s22 =	sshrl.u32 @!p1 s22, $0x3  }
0x52: {  	s25 =	sshll.u32 @!p1 s24, $0xF;
	s24 =	sadd.s32 @!p1 $0x1, s24;
	s22 =	sadd.s32 @!p1 s1, s22  }
0x53: {  	[tilespmem:s25], [sflag:s24] =	stream.linear.gather @!p1 [hbm4b:s22+s26], $0x8000, $0x38;
	[tilespmem:$0x18580] =	vst v63  }
0x54: {  	s31 =	sshll.u32 s23, $0x11;
	s23 =	simm.s32 $0x0;
	_ =	swait.ge [sflag:s0], $0x8000  }
0x55: {  	s22 =	sshrl.u32 s31, $0x2;
	s24 =	simm.s32 $0x0;
	[sflag:s0] =	ssyncset.done $0x0  }
0x56: {  	s25 =	simm.s32 $0x0;
	s22 =	sadd.s32 $0x200, s22;
	[sflag:s0] =	ssyncadd.s32 $0xFFFF8000  }
.LBB2_8:
0x57: {  	s0 =	sshll.u32 s24, $0x2;
	s26 =	sand.u32 $0x7, s23  }
0x58: {  	s0 =	sand.u32 $0xFFFFF000, s0;
	s26 =	sshll.u32 s26, $0x6  }
0x59: {  	s0 =	sor.u32 s26, s0  }
0x5a: {  	s0 =	sshrl.u32 s0, $0x2  }
0x5b: {  	s0 =	sadd.s32 s0, s22  }
0x5c: {  	v2 =	vld [tilespmem:s0+$0xFFFFFF00]  }
0x5d: {  	v3 =	vld [tilespmem:s0+$0x180]  }
0x5e: {  	v4 =	vld [tilespmem:s0+$0x80]  }
0x5f: {  	v5 =	vld [tilespmem:s0+$0x0]  }
0x60: {  	v6 =	vld [tilespmem:s0+$0x100]  }
0x61: {  	v7 =	vld [tilespmem:s0+$0xFFFFFF80]  }
0x62: {  	v8 =	vld [tilespmem:s0+$0xFFFFFE80]  }
0x63: {  	v9 =	vld [tilespmem:s0+$0xFFFFFE00];
	s0 =	sadd.s32 $0x2000, s0  }
0x64: {  	v10 =	vld [tilespmem:s0+$0x80]  }
0x65: {  	v11 =	vld [tilespmem:s0+$0xFFFFFE00];
	v2 =	vmul.f32 $3.000000000e+01, v2;
	v4 =	vmul.f32 $3.000000000e+01, v4  }
0x66: {  	v3 =	vmul.f32 $3.000000000e+01, v3;
	v5 =	vmul.f32 $3.000000000e+01, v5  }
0x67: {  	v6 =	vmul.f32 $3.000000000e+01, v6;
	v7 =	vmul.f32 $3.000000000e+01, v7;
	v2 =	vadd.f32 $-3.000000000e+01, v2  }
0x68: {  	v8 =	vmul.f32 $3.000000000e+01, v8;
	v9 =	vmul.f32 $3.000000000e+01, v9;
	v4 =	vadd.f32 $-3.000000000e+01, v4  }
0x69: {  	v10 =	vmul.f32 $3.000000000e+01, v10;
	v3 =	vadd.f32 $-3.000000000e+01, v3;
	v2 =	vmul.f32 $1.442695020e+00, v2  }
0x6a: {  	v11 =	vmul.f32 $3.000000000e+01, v11;
	v7 =	vadd.f32 $-3.000000000e+01, v7;
	v4 =	vmul.f32 $1.442695020e+00, v4  }
0x6b: {  	v8 =	vadd.f32 $-3.000000000e+01, v8;
	v3 =	vmul.f32 $1.442695020e+00, v3;
	(erf) = vpow2.f32 v2;
	v2 =	vld [tilespmem:s0+$0xFFFFFF00]  }
0x6c: {  	v9 =	vadd.f32 $-3.000000000e+01, v9;
	v7 =	vmul.f32 $1.442695020e+00, v7;
	(erf) = vpow2.f32 v4  }
0x6d: {  	v8 =	vmul.f32 $1.442695020e+00, v8;
	v4 =	vld [tilespmem:s0+$0x180];
	(erf) = vpow2.f32 v3;
	v3 =	vadd.f32 $-3.000000000e+01, v5  }
0x6e: {  	v6 =	vadd.f32 $-3.000000000e+01, v6;
	v9 =	vmul.f32 $1.442695020e+00, v9;
	v5 =	vld [tilespmem:s0+$0x0];
	(erf) = vpow2.f32 v7  }
0x6f: {  	v10 =	vadd.f32 $-3.000000000e+01, v10;
	v7 =	vld [tilespmem:s0+$0x100];
	(erf) = vpow2.f32 v8;
	v3 =	vmul.f32 $1.442695020e+00, v3  }
0x70: {  	v8 =	vld [tilespmem:s0+$0xFFFFFF80];
	(erf) = vpow2.f32 v9;
	v2 =	vmul.f32 $3.000000000e+01, v2  }
0x71: {  	v6 =	vmul.f32 $1.442695020e+00, v6;
	v16 =	vmul.f32 $1.442695020e+00, v10;
	v9 =	vld [tilespmem:s0+$0xFFFFFE80]  }
0x72: {  	(erf) = vpow2.f32 v3;
	v12 =	vmul.f32 $3.000000000e+01, v4;
	v3 =	vadd.f32 $-3.000000000e+01, v2  }
0x73: {  	(erf) = vpow2.f32 v6;
	v5 =	vmul.f32 $3.000000000e+01, v5  }
0x74: {  	v6 =	vmul.f32 $3.000000000e+01, v7;
	v7 =	vpop (erf);
	v13 =	vmul.f32 $1.442695020e+00, v3  }
0x75: {  	v2 =	vimm.f32 $0.0e+00;
	v14 =	vadd.f32 $-3.000000000e+01, v12;
	v15 =	vmul.f32 $3.000000000e+01, v8;
	v4 =	vpop (erf)  }
0x76: {  	v8 =	vadd.f32 $-3.000000000e+01, v5;
	v3 =	vadd.f32 v7, v2;
	v17 =	vmul.f32 $3.000000000e+01, v9;
	v7 =	vpop (erf)  }
0x77: {  	v5 =	vimm.f32 $0.0e+00;
	v9 =	vadd.f32 $-3.000000000e+01, v6;
	v6 =	vimm.f32 $0.0e+00;
	v10 =	vpop (erf)  }
0x78: {  	s26 =	simm.s32 $0x8;
	s28 =	sadd.s32 $0x2000, s0;
	v15 =	vadd.f32 $-3.000000000e+01, v15;
	(erf) = vpow2.f32 v13;
	v12 =	vadd.f32 $-3.000000000e+01, v17;
	v13 =	vpop (erf)  }
.LBB2_9:
0x79: {  	v17 =	vld [tilespmem:s28+$0xFFFFFF00];
	s26 =	sadd.s32 $0x8, s26;
	v14 =	vmul.f32 $1.442695020e+00, v14;
	(erf) = vpow2.f32 v16;
	v2 =	vadd.f32 v13, v2;
	v13 =	vpop (erf)  }
0x7a: {  	v11 =	vadd.f32 $-3.000000000e+01, v11;
	v5 =	vadd.f32 v10, v5;
	v16 =	vld [tilespmem:s28+$0x180];
	p1 =	slt.u32 s26, $0x18;
	v15 =	vmul.f32 $1.442695020e+00, v15  }
0x7b: {  	v12 =	vmul.f32 $1.442695020e+00, v12;
	v6 =	vadd.f32 v13, v6;
	v10 =	vld [tilespmem:s28+$0x80];
	(erf) = vpow2.f32 v14;
	v13 =	vpop (erf)  }
0x7c: {  	v11 =	vmul.f32 $1.442695020e+00, v11;
	v5 =	vadd.f32 v7, v5;
	v14 =	vld [tilespmem:s28+$0x0];
	(erf) = vpow2.f32 v15;
	v7 =	vpop (erf)  }
0x7d: {  	v2 =	vadd.f32 v4, v2;
	v6 =	vadd.f32 v13, v6;
	v15 =	vld [tilespmem:s28+$0x100];
	(erf) = vpow2.f32 v12  }
0x7e: {  	v4 =	vmul.f32 $1.442695020e+00, v8;
	v3 =	vadd.f32 v7, v3;
	v12 =	vld [tilespmem:s28+$0xFFFFFF80];
	(erf) = vpow2.f32 v11  }
0x7f: {  	v9 =	vmul.f32 $1.442695020e+00, v9;
	v8 =	vmul.f32 $3.000000000e+01, v17;
	v7 =	vld [tilespmem:s28+$0xFFFFFE80]  }
0x80: {  	v11 =	vld [tilespmem:s28+$0xFFFFFE00];
	v10 =	vmul.f32 $3.000000000e+01, v10;
	(erf) = vpow2.f32 v4  }
0x81: {  	v13 =	vmul.f32 $3.000000000e+01, v16;
	v8 =	vadd.f32 $-3.000000000e+01, v8;
	v16 =	vpop (erf);
	(erf) = vpow2.f32 v9  }
.Ltmp3:
0x82: {  	v9 =	vmul.f32 $3.000000000e+01, v14;
	v19 =	vadd.f32 $-3.000000000e+01, v10;
	v15 =	vmul.f32 $3.000000000e+01, v15;
	v4 =	vpop (erf);
	(pc) =	sbr.rel @p1 .LBB2_9-.Ltmp3, $4  }
0x83: {  	v17 =	vmul.f32 $1.442695020e+00, v8;
	v3 =	vadd.f32 v16, v3;
	v18 =	vmul.f32 $3.000000000e+01, v12  }
0x84: {  	v14 =	vadd.f32 $-3.000000000e+01, v13;
	v8 =	vadd.f32 $-3.000000000e+01, v9;
	v12 =	vmul.f32 $3.000000000e+01, v7;
	v7 =	vpop (erf)  }
0x85: {  	v16 =	vmul.f32 $1.442695020e+00, v19;
	v9 =	vadd.f32 $-3.000000000e+01, v15;
	v11 =	vmul.f32 $3.000000000e+01, v11;
	v10 =	vpop (erf)  }
0x86: {  	s28 =	sadd.s32 $0x2000, s28;
	v15 =	vadd.f32 $-3.000000000e+01, v18;
	v12 =	vadd.f32 $-3.000000000e+01, v12;
	(erf) = vpow2.f32 v17;
	v13 =	vpop (erf)  }
0x87: {  	v14 =	vmul.f32 $1.442695020e+00, v14  }
0x88: {  	(erf) = vpow2.f32 v16;
	v11 =	vadd.f32 $-3.000000000e+01, v11;
	v15 =	vmul.f32 $1.442695020e+00, v15  }
0x89: {  	v12 =	vmul.f32 $1.442695020e+00, v12;
	(erf) = vpow2.f32 v14  }
0x8a: {  	v11 =	vmul.f32 $1.442695020e+00, v11;
	(erf) = vpow2.f32 v15  }
0x8b: {  	v8 =	vmul.f32 $1.442695020e+00, v8;
	(erf) = vpow2.f32 v12  }
0x8c: {  	v9 =	vmul.f32 $1.442695020e+00, v9;
	(erf) = vpow2.f32 v11  }
0x8d: {  	v52 =	vpop (erf);
	(erf) = vpow2.f32 v8  }
0x8e: {  	v53 =	vpop (erf);
	(erf) = vpow2.f32 v9  }
0x8f: {  	v54 =	vpop (erf)  }
0x90: {  	v55 =	vpop (erf)  }
0x91: {  	v5 =	vadd.f32 v10, v5;
	v2 =	vadd.f32 v13, v2;
	v56 =	vpop (erf)  }
0x92: {  	v6 =	vadd.f32 v52, v6;
	v57 =	vpop (erf)  }
0x93: {  	v5 =	vadd.f32 v7, v5;
	v2 =	vadd.f32 v4, v2;
	v58 =	vpop (erf)  }
0x94: {  	v6 =	vadd.f32 v53, v6;
	v3 =	vadd.f32 v54, v3;
	v59 =	vpop (erf)  }
0x95: {  	v5 =	vadd.f32 v58, v5;
	v60 =	vpop (erf);
	v2 =	vadd.f32 v59, v2  }
0x96: {  	v3 =	vadd.f32 v55, v3;
	v4 =	vadd.f32 v60, v6;
	v61 =	vpop (erf)  }
0x97: {  	s0 =	sshll.u32 s25, $0x4;
	v5 =	vadd.f32 v57, v5;
	v62 =	vpop (erf);
	v2 =	vadd.f32 v56, v2  }
0x98: {  	s0 =	sand.u32 $0x3FFFFFF0, s0;
	v4 =	vadd.f32 v61, v4;
	v3 =	vadd.f32 v62, v3  }
0x99: {  	v63 =	vld [tilespmem:s0+$0x10000]  }
0x9a: {  	s25 =	sadd.s32 $0x1, s25;
	v2 =	vadd.f32 v2, v4;
	v3 =	vadd.f32 v5, v3  }
0x9b: {  	p1 =	seq.s32 s25, $0x40  }
.Ltmp4:
0x9c: {  	v2 =	vadd.f32 v3, v2;
	(pc) =	sbr.rel @!p1 .LBB2_8-.Ltmp4, $3  }
0x9d: {  	_ = 	snop  }
0x9e: {  	v2 =	vadd.f32 v63, v2;
	_ =	sdelay $0x1  }
0x9f: {  	s24 =	sadd.s32 $0x80, s24;
	s23 =	sadd.s32 $0x1, s23;
	[tilespmem:s0+$0x10000] =	vst v2  }
0xa0: {  	p1 =	seq.s32 s21, $0x24  }
.Ltmp5:
0xa1: {  	_ = 	snop;
	(pc) =	sbr.rel @!p1 .LBB2_7-.Ltmp5, $2  }
0xa2: {  	_ =	sdelay $0x2  }
0xa3: {  	p0 =	por !p0, !p0  }
0xa4: {  	s21 =	simm.s32 $0x0;
	s0 =	simm.s32 $0x10000  }
0xa5: {  	[hbm4b:s9+s21] =	stream.linear.scatter [tilespmem:s0], [sflag:$0x4], $0x400, $0x38;
	[tilespmem:$0x18580] =	vst v63  }
0xa6: {  	_ =	swait.ge [sflag:s15], $0x400  }
0xa7: {  	[sflag:s15] =	ssyncset.done $0x0  }
0xa8: {  	[sflag:s15] =	ssyncadd.s32 $0xFFFFFC00  }
0xa9: {  	_ =	swait.ge [sflag:s18], $0x400  }
0xaa: {  	[sflag:s18] =	ssyncset.done $0x0  }
0xab: {  	[sflag:s18] =	ssyncadd.s32 $0xFFFFFC00  }
0xac: {  	_ =	swait.ge [sflag:s18], $0x400  }
0xad: {  	[sflag:s18] =	ssyncset.done $0x0  }
0xae: {  	[sflag:s18] =	ssyncadd.s32 $0xFFFFFC00  }
0xaf: {  	_ =	swait.ge [sflag:s18], $0x400  }
0xb0: {  	[sflag:s18] =	ssyncset.done $0x0  }
0xb1: {  	[sflag:s18] =	ssyncadd.s32 $0xFFFFFC00  }
0xb2: {  	_ =	swait.ge [sflag:s18], $0x400  }
0xb3: {  	[sflag:s18] =	ssyncset.done $0x0  }
0xb4: {  	[sflag:s18] =	ssyncadd.s32 $0xFFFFFC00  }
0xb5: {  	_ =	swait.ge [sflag:s18], $0x400  }
0xb6: {  	[sflag:s18] =	ssyncset.done $0x0  }
0xb7: {  	[sflag:s18] =	ssyncadd.s32 $0xFFFFFC00  }
0xb8: {  	_ =	swait.ge [sflag:s18], $0x400  }
0xb9: {  	[sflag:s18] =	ssyncset.done $0x0  }
0xba: {  	[sflag:s18] =	ssyncadd.s32 $0xFFFFFC00  }
0xbb: {  	_ =	swait.ge [sflag:s18], $0x400  }
0xbc: {  	[sflag:s18] =	ssyncset.done $0x0  }
0xbd: {  	[sflag:s18] =	ssyncadd.s32 $0xFFFFFC00  }
0xbe: {  	_ =	swait.ge [sflag:s18], $0x400  }
0xbf: {  	[sflag:s18] =	ssyncset.done $0x0  }
0xc0: {  	[sflag:s18] =	ssyncadd.s32 $0xFFFFFC00  }
0xc1: {  	_ =	swait.ge [sflag:s18], $0x400  }
0xc2: {  	[sflag:s18] =	ssyncset.done $0x0  }
0xc3: {  	[sflag:s18] =	ssyncadd.s32 $0xFFFFFC00  }
0xc4: {  	_ =	swait.ge [sflag:s18], $0x400  }
0xc5: {  	[sflag:s18] =	ssyncset.done $0x0  }
0xc6: {  	[sflag:s18] =	ssyncadd.s32 $0xFFFFFC00  }
0xc7: {  	_ =	swait.ge [sflag:s18], $0x400  }
0xc8: {  	[sflag:s18] =	ssyncset.done $0x0  }
0xc9: {  	[sflag:s18] =	ssyncadd.s32 $0xFFFFFC00  }
0xca: {  	_ =	swait.ge [sflag:s18], $0x400  }
0xcb: {  	[sflag:s18] =	ssyncset.done $0x0  }
0xcc: {  	[sflag:s18] =	ssyncadd.s32 $0xFFFFFC00  }
0xcd: {  	_ =	swait.ge [sflag:s18], $0x400  }
0xce: {  	[sflag:s18] =	ssyncset.done $0x0  }
0xcf: {  	[sflag:s18] =	ssyncadd.s32 $0xFFFFFC00  }
0xd0: {  	_ =	swait.ge [sflag:s18], $0x400  }
0xd1: {  	[sflag:s18] =	ssyncset.done $0x0  }
0xd2: {  	[sflag:s18] =	ssyncadd.s32 $0xFFFFFC00  }
0xd3: {  	_ =	swait.ge [sflag:s18], $0x400  }
0xd4: {  	[sflag:s18] =	ssyncset.done $0x0  }
0xd5: {  	[sflag:s18] =	ssyncadd.s32 $0xFFFFFC00  }
0xd6: {  	_ =	swait.ge [sflag:s18], $0x400  }
0xd7: {  	[sflag:s18] =	ssyncset.done $0x0  }
0xd8: {  	[sflag:s18] =	ssyncadd.s32 $0xFFFFFC00  }
0xd9: {  	_ =	swait.ge [sflag:s18], $0x400  }
0xda: {  	[sflag:s18] =	ssyncset.done $0x0  }
0xdb: {  	[sflag:s18] =	ssyncadd.s32 $0xFFFFFC00  }
0xdc: {  	_ =	swait.ge [sflag:s18], $0x400  }
0xdd: {  	[sflag:s18] =	ssyncset.done $0x0  }
0xde: {  	[sflag:s18] =	ssyncadd.s32 $0xFFFFFC00  }
0xdf: {  	_ =	swait.ge [sflag:s18], $0x400  }
0xe0: {  	[sflag:s18] =	ssyncset.done $0x0  }
0xe1: {  	[sflag:s18] =	ssyncadd.s32 $0xFFFFFC00  }
0xe2: {  	_ =	swait.ge [sflag:s18], $0x400  }
0xe3: {  	[sflag:s18] =	ssyncset.done $0x0  }
0xe4: {  	[sflag:s18] =	ssyncadd.s32 $0xFFFFFC00  }
0xe5: {  	_ =	swait.ge [sflag:s18], $0x400  }
0xe6: {  	[sflag:s18] =	ssyncset.done $0x0  }
0xe7: {  	[sflag:s18] =	ssyncadd.s32 $0xFFFFFC00  }
0xe8: {  	_ =	swait.ge [sflag:s18], $0x400  }
0xe9: {  	[sflag:s18] =	ssyncset.done $0x0  }
0xea: {  	[sflag:s18] =	ssyncadd.s32 $0xFFFFFC00  }
0xeb: {  	_ =	swait.ge [sflag:s18], $0x400  }
0xec: {  	[sflag:s18] =	ssyncset.done $0x0  }
0xed: {  	[sflag:s18] =	ssyncadd.s32 $0xFFFFFC00  }
0xee: {  	_ =	swait.ge [sflag:s18], $0x400  }
0xef: {  	[sflag:s18] =	ssyncset.done $0x0  }
0xf0: {  	[sflag:s18] =	ssyncadd.s32 $0xFFFFFC00  }
0xf1: {  	_ =	swait.ge [sflag:s18], $0x400  }
0xf2: {  	[sflag:s18] =	ssyncset.done $0x0  }
0xf3: {  	[sflag:s18] =	ssyncadd.s32 $0xFFFFFC00  }
0xf4: {  	_ =	swait.ge [sflag:s18], $0x400  }
0xf5: {  	[sflag:s18] =	ssyncset.done $0x0  }
0xf6: {  	[sflag:s18] =	ssyncadd.s32 $0xFFFFFC00  }
0xf7: {  	_ =	swait.ge [sflag:s18], $0x400  }
0xf8: {  	[sflag:s18] =	ssyncset.done $0x0  }
0xf9: {  	[sflag:s18] =	ssyncadd.s32 $0xFFFFFC00  }
0xfa: {  	_ =	swait.ge [sflag:s18], $0x400  }
0xfb: {  	[sflag:s18] =	ssyncset.done $0x0  }
0xfc: {  	[sflag:s18] =	ssyncadd.s32 $0xFFFFFC00  }
0xfd: {  	_ =	swait.ge [sflag:s18], $0x400  }
0xfe: {  	[sflag:s18] =	ssyncset.done $0x0  }
0xff: {  	[sflag:s18] =	ssyncadd.s32 $0xFFFFFC00  }
0x100: {  	_ =	swait.ge [sflag:s18], $0x400  }
0x101: {  	[sflag:s18] =	ssyncset.done $0x0  }
0x102: {  	[sflag:s18] =	ssyncadd.s32 $0xFFFFFC00  }
0x103: {  	_ =	swait.ge [sflag:s18], $0x400  }
0x104: {  	[sflag:s18] =	ssyncset.done $0x0  }
0x105: {  	[sflag:s18] =	ssyncadd.s32 $0xFFFFFC00  }
0x106: {  	_ =	swait.ge [sflag:s18], $0x400  }
0x107: {  	[sflag:s18] =	ssyncset.done $0x0  }
0x108: {  	s26 =	sand.u32 $0x3FFFFFF0, s21;
	[sflag:s18] =	ssyncadd.s32 $0xFFFFFC00  }
0x109: {  	v2 =	vld [tilespmem:s26+$0x10480];
	_ =	sdelay $0x1  }
0x10a: {  	s2 =	sand.u32 $0xF, s21  }
0x10b: {  	v3 =	vmov s2  }
0x10c: {  	vm1 =	veq.s32 v3, v0  }
0x10d: {  	v2 =	vnsel vm1, $0x0, v2  }
0x10e: {  	(xrf2) =	vadd.scan.msk.f32 $0xffff, v2  }
0x10f: {  	s22 =	simm.s32 $0x1  }
0x110: {  	s23 =	sand.u32 $0x3FFFFFF0, s22  }
0x111: {  	v2 =	vld [tilespmem:s23+$0x10480];
	_ =	sdelay $0x1  }
0x112: {  	s25 =	sand.u32 $0xF, s22  }
0x113: {  	v3 =	vmov s25  }
0x114: {  	vm2 =	veq.s32 v3, v0  }
0x115: {  	v2 =	vnsel vm2, $0x0, v2  }
0x116: {  	(xrf2) =	vadd.scan.msk.f32 $0xffff, v2  }
0x117: {  	v3, _, _ =	vpop (xrf2)  }
0x118: {  	(v2sf) =	vpush v3, $0xF;
	_ =	sdelay $0x6  }
0x119: {  	s24 =	sadd.s32 $0x0, s13;
	s23 =	simm.s32 $0x2  }
0x11a: {  	p0 =	sne.s32 s12, $0x0;
	s26 =	simm.s32 $0x1;
	s28 =	sand.u32 $0x3FFFFFF0, s23;
	v2, _, _ =	vpop (xrf2)  }
0x11b: {  	s29 =	sshra.s32 s24, $0x1F;
	s26 =	simm.s32 @!p0 $0x0;
	(v2sf) =	vpush v2, $0xF;
	v2 =	vld [tilespmem:s28+$0x10480]  }
0x11c: {  	s26 =	sor.u32 s26, s29  }
0x11d: {  	p1 =	sne.s32 s2, $0x0;
	p4 =	sne.s32 s26, $0x1;
	s28 =	sand.u32 $0xF, s23  }
0x11e: {  	s14 =	sshrl.u32 s29, $0x1C;
	p0 =	por !p1, !p4;
	v3 =	vmov s28  }
0x11f: {  	s0 =	sadd.s32 s14, s24;
	s24 =	simm.s32 $0x1;
	p0 =	por !p0, !p0;
	vm3 =	veq.s32 v3, v0  }
0x120: {  	s0 =	sshra.s32 s0, $0x4;
	s24 =	simm.s32 @!p0 $0x0;
	v2 =	vnsel vm3, $0x0, v2  }
0x121: {  	s0 =	ssub.s32 s0, s24;
	(xrf2) =	vadd.scan.msk.f32 $0xffff, v2;
	s16 =	spop (v2sf)  }
0x122: {  	s30 =	simm.s32 $0x1;
	s24 =	sshll.u32 s0, $0x6;
	s26 =	scvt.f32.s32 s16  }
0x123: {  	p0 =	sne.s32 s12, $0x1;
	s0 =	sand.u32 $0x7, s0;
	s29 =	sand.u32 $0xFFFFFE00, s24  }
0x124: {  	s24 =	simm.s32 $0x3;
	s0 =	sshll.u32 s0, $0x6;
	s26 =	sshll.u32 s26, $0x9  }
0x125: {  	s2 =	sand.u32 $0x3FFFFFF0, s24;
	s26 =	sadd.s32 s29, s26;
	s29 =	sadd.s32 $0x1, s13  }
0x126: {  	s30 =	simm.s32 @!p0 $0x0;
	v3 =	vld [tilespmem:s2+$0x10480];
	s31 =	sshra.s32 s29, $0x1F;
	s0 =	sor.u32 s0, s26  }
0x127: {  	s17 =	sor.u32 s30, s31;
	s0 =	sshra.s32 s0, $0x2;
	s26 =	sshrl.u32 s31, $0x1C  }
0x128: {  	s0 =	sadd.s32 $0x10500, s0;
	s14 =	sadd.s32 s26, s29;
	s26 =	sand.u32 $0xF, s24  }
0x129: {  	p6 =	sne.s32 s25, $0x0;
	p5 =	sne.s32 s17, $0x1;
	v4 =	vld [tilespmem:s0+$0x0];
	v5 =	vmov s26  }
0x12a: {  	p0 =	por !p6, !p5;
	vm4 =	veq.s32 v5, v0  }
0x12b: {  	s25 =	simm.s32 $0x1;
	vm1 =	vmmov vm1;
	v6, _, _ =	vpop (xrf2);
	p0 =	por !p0, !p0;
	v3 =	vnsel vm4, $0x0, v3  }
0x12c: {  	vm1 =	vmmov vm1;
	s17 =	spop (v2sf);
	s16 =	sshra.s32 s14, $0x4;
	(v2sf) =	vpush v6, $0xF;
	s25 =	simm.s32 @!p0 $0x0;
	(xrf2) =	vadd.scan.msk.f32 $0xffff, v3  }
0x12d: {  	vm1 =	vmmov vm1;
	s2 =	scvt.f32.s32 s17;
	s0 =	ssub.s32 s16, s25  }
0x12e: {  	p1 =	sne.s32 s12, $0x2;
	s29 =	sshll.u32 s0, $0x6;
	v3 =	vnsel vm1, $0x0, v4  }
0x12f: {  	vm2 =	vmmov vm2;
	s2 =	sshll.u32 s2, $0x9;
	s0 =	sand.u32 $0x7, s0;
	s29 =	sand.u32 $0xFFFFFE00, s29;
	(xrf2) =	vadd.scan.msk.f32 $0xffff, v3  }
0x130: {  	vm2 =	vmmov vm2;
	vm3 =	vmmov vm3;
	s25 =	simm.s32 $0x4;
	s0 =	sshll.u32 s0, $0x6;
	s2 =	sadd.s32 s29, s2  }
0x131: {  	vm2 =	vmmov vm2;
	v2 =	vimm.f32 $0.0e+00;
	vm3 =	vmmov vm3;
	s31 =	sadd.s32 $0x2, s13;
	s30 =	sand.u32 $0x3FFFFFF0, s25;
	s0 =	sor.u32 s0, s2  }
0x132: {  	vm4 =	vmmov vm4;
	vm1 =	vmmov vm1;
	v4 =	vld [tilespmem:s30+$0x10480];
	s30 =	simm.s32 $0x5;
	s29 =	simm.s32 $0x10900;
	v3 =	vimm.f32 $0.0e+00;
	s0 =	sshra.s32 s0, $0x2  }
.LBB2_12:
0x133: {  	p0 =	sne.s32 s30, $0x1F;
	s2 =	sand.u32 $0xF, s25;
	s0 =	sadd.s32 s0, s29  }
0x134: {  	s14 =	smov.u32 s21;
	s21 =	smov.u32 s22;
	s17 =	simm.s32 $0x1  }
0x135: {  	s22 =	smov.u32 s23;
	s16 =	sshra.s32 s31, $0x1F;
	s17 =	simm.s32 @!p1 $0x0  }
0x136: {  	s23 =	smov.u32 s24;
	s24 =	smov.u32 s25;
	v5 =	vmov s2;
	v6, _, _ =	vpop (xrf2);
	v7 =	vld [tilespmem:s0+$0x0];
	s0 =	sor.u32 s17, s16  }
0x137: {  	s25 =	smov.u32 s30;
	p2 =	sne.s32 s28, $0x0;
	vm5 =	veq.s32 v5, v0;
	p1 =	sne.s32 s0, $0x1  }
0x138: {  	v5 =	vnsel vm5, $0x0, v4;
	s0 =	sshrl.u32 s14, $0x4;
	s14 =	sshrl.u32 s16, $0x1C;
	p1 =	por !p2, !p1  }
0x139: {  	vm6 =	vmmov vm0;
	(xrf2) =	vadd.scan.msk.f32 $0xffff, v5;
	(v2sf) =	vpush v6, $0xF;
	p2 =	sne.s32 s0, $0x0;
	v4, _, _ =	vpop (xrf2);
	s14 =	sadd.s32 s14, s31;
	p3 =	seq.s32 s0, $0x0  }
0x13a: {  	vm7 =	vmmov vm0;
	p1 =	por !p1, !p1;
	v4 =	vbroadcast v4, $0xF;
	vm6 =	vmneg @p2 vm6;
	s0 =	sshra.s32 s14, $0x4;
	s14 =	simm.s32 $0x1  }
0x13b: {  	vm7 =	vmneg @p3 vm7;
	s14 =	simm.s32 @!p1 $0x0;
	s16 =	spop (v2sf);
	v5 =	vnsel vm2, $0x0, v7;
	vm6 =	vmand vm6, vm1  }
0x13c: {  	s28 =	smov.u32 s26;
	vm7 =	vmand vm7, vm1;
	vm1 =	vmmov vm2;
	s16 =	scvt.f32.s32 s16;
	s0 =	ssub.s32 s0, s14;
	(xrf2) =	vadd.scan.msk.f32 $0xffff, v5;
	v2 =	vsel vm6, v4, v2  }
.Ltmp6:
0x13d: {  	s26 =	smov.u32 s2;
	vm2 =	vmmov vm3;
	vm3 =	vmmov vm4;
	v3 =	vsel vm7, v4, v3;
	s14 =	sshll.u32 s0, $0x6;
	(pc) =	sbr.rel @p0 .LBB2_12-.Ltmp6, $4  }
0x13e: {  	vm4 =	vmmov vm5;
	s0 =	sand.u32 $0x7, s0;
	s2 =	sshll.u32 s16, $0x9;
	s14 =	sand.u32 $0xFFFFFE00, s14  }
0x13f: {  	s16 =	sand.u32 $0x3FFFFFF0, s30;
	s0 =	sshll.u32 s0, $0x6;
	s2 =	sadd.s32 s14, s2  }
0x140: {  	s29 =	sadd.s32 $0x400, s29;
	s31 =	sadd.s32 s23, s13;
	v4 =	vld [tilespmem:s16+$0x10480];
	s0 =	sor.u32 s0, s2  }
0x141: {  	p1 =	sne.s32 s12, s23;
	s30 =	sadd.s32 $0x1, s30;
	s0 =	sshra.s32 s0, $0x2  }
0x142: {  	s2 =	sand.u32 $0xF, s25  }
0x143: {  	v5 =	vmov s2  }
0x144: {  	vm5 =	veq.s32 v5, v0  }
0x145: {  	v4 =	vnsel vm5, $0x0, v4  }
0x146: {  	(xrf2) =	vadd.scan.msk.f32 $0xffff, v4;
	_ =	sdelay $0x4  }
0x147: {  	s14 =	simm.s32 $0x1;
	s16 =	sshra.s32 s31, $0x1F;
	p2 =	sne.s32 s28, $0x0  }
0x148: {  	s0 =	sadd.s32 s0, s29;
	s28 =	simm.s32 $0x1;
	s14 =	simm.s32 @!p1 $0x0  }
0x149: {  	p4 =	sne.s32 s26, $0x0;
	s26 =	simm.s32 $0x1;
	v54, _, _ =	vpop (xrf2);
	s14 =	sor.u32 s14, s16  }
0x14a: {  	s30 =	sshrl.u32 s16, $0x1C;
	p1 =	sne.s32 s12, s25;
	(v2sf) =	vpush v54, $0xF;
	p0 =	sne.s32 s14, $0x1  }
0x14b: {  	p6 =	sne.s32 s2, $0x0;
	s16 =	simm.s32 $0x1;
	p0 =	por !p2, !p0;
	v55, _, _ =	vpop (xrf2)  }
0x14c: {  	s14 =	sadd.s32 s30, s31;
	s31 =	sadd.s32 s24, s13;
	p0 =	por !p0, !p0;
	v56, _, _ =	vpop (xrf2)  }
0x14d: {  	s14 =	sshra.s32 s14, $0x4;
	s16 =	simm.s32 @!p0 $0x0;
	s17 =	spop (v2sf);
	(v2sf) =	vpush v56, $0xF  }
0x14e: {  	p0 =	sne.s32 s12, s24;
	s17 =	scvt.f32.s32 s17;
	s14 =	ssub.s32 s14, s16  }
0x14f: {  	s30 =	sshra.s32 s31, $0x1F;
	s28 =	simm.s32 @!p0 $0x0;
	s16 =	sshll.u32 s14, $0x6  }
0x150: {  	s14 =	sand.u32 $0x7, s14;
	s28 =	sor.u32 s28, s30;
	s17 =	sshll.u32 s17, $0x9  }
0x151: {  	s16 =	sand.u32 $0xFFFFFE00, s16;
	s14 =	sshll.u32 s14, $0x6;
	p3 =	sne.s32 s28, $0x1  }
0x152: {  	s28 =	sshrl.u32 s30, $0x1C;
	s16 =	sadd.s32 s16, s17;
	p0 =	por !p4, !p3  }
0x153: {  	s17 =	sadd.s32 s28, s31;
	s28 =	sadd.s32 s25, s13;
	s14 =	sor.u32 s14, s16  }
0x154: {  	s16 =	sadd.s32 $0x400, s29;
	p0 =	por !p0, !p0;
	s29 =	simm.s32 $0x1  }
0x155: {  	s17 =	sshra.s32 s17, $0x4;
	s31 =	sshra.s32 s28, $0x1F;
	s29 =	simm.s32 @!p1 $0x0  }
0x156: {  	s14 =	sshra.s32 s14, $0x2;
	s26 =	simm.s32 @!p0 $0x0;
	s29 =	sor.u32 s29, s31  }
0x157: {  	s17 =	ssub.s32 s17, s26;
	s14 =	sadd.s32 s14, s16;
	s31 =	sshrl.u32 s31, $0x1C  }
0x158: {  	s16 =	sadd.s32 $0x400, s16;
	p5 =	sne.s32 s29, $0x1;
	s29 =	sshll.u32 s17, $0x6  }
0x159: {  	v57 =	vld [tilespmem:s0+$0x0];
	s2 =	sand.u32 $0xFFFFFE00, s29;
	p0 =	por !p6, !p5;
	s30 =	spop (v2sf)  }
0x15a: {  	v6 =	vld [tilespmem:s14+$0x0];
	s29 =	simm.s32 $0x1;
	p0 =	por !p0, !p0;
	s30 =	scvt.f32.s32 s30  }
0x15b: {  	s28 =	sadd.s32 s31, s28;
	s17 =	sand.u32 $0x7, s17;
	s29 =	simm.s32 @!p0 $0x0  }
0x15c: {  	s26 =	sshll.u32 s30, $0x9;
	s30 =	sshra.s32 s28, $0x4;
	s31 =	spop (v2sf)  }
0x15d: {  	s17 =	sshll.u32 s17, $0x6;
	s0 =	ssub.s32 s30, s29;
	s28 =	scvt.f32.s32 s31  }
0x15e: {  	vm6 =	vmmov vm3;
	v5 =	vnsel vm2, $0x0, v57;
	s2 =	sadd.s32 s2, s26;
	s30 =	sshll.u32 s0, $0x6;
	s0 =	sand.u32 $0x7, s0  }
0x15f: {  	(xrf2) =	vadd.scan.msk.f32 $0xffff, v5;
	v6 =	vnsel vm6, $0x0, v6;
	s2 =	sor.u32 s17, s2;
	s26 =	sand.u32 $0xFFFFFE00, s30;
	s31 =	sshll.u32 s28, $0x9  }
0x160: {  	(xrf2) =	vadd.scan.msk.f32 $0xffff, v6;
	s0 =	sshll.u32 s0, $0x6;
	s2 =	sshra.s32 s2, $0x2;
	s14 =	sadd.s32 s26, s31  }
0x161: {  	s2 =	sadd.s32 s2, s16;
	s0 =	sor.u32 s0, s14  }
0x162: {  	s17 =	sadd.s32 $0x400, s16;
	v58 =	vld [tilespmem:s2+$0x0];
	s0 =	sshra.s32 s0, $0x2  }
0x163: {  	s0 =	sadd.s32 s0, s17  }
0x164: {  	v7 =	vld [tilespmem:s0+$0x0]  }
0x165: {  	vm3 =	vmmov vm4  }
0x166: {  	vm7 =	vmmov vm0;
	vm4 =	vmmov vm3;
	vm5 =	vmmov vm5  }
0x167: {  	vm8 =	vmmov vm0;
	vm3 =	vmmov vm5;
	v5 =	vnsel vm4, $0x0, v58  }
0x168: {  	vm15 =	vmmov vm6;
	vm5 =	vmmov vm0;
	vm3 =	vmmov vm3;
	(xrf2) =	vadd.scan.msk.f32 $0xffff, v5;
	s26 =	sshrl.u32 s21, $0x4  }
0x169: {  	v4 =	vbroadcast v55, $0xF;
	vm2 =	vmmov vm2;
	v60, _, _ =	vpop (xrf2);
	p0 =	sne.s32 s26, $0x0;
	v59 =	vnsel vm3, $0x0, v7  }
0x16a: {  	vm6 =	vmmov vm0;
	v6, _, _ =	vpop (xrf2);
	v5 =	vbroadcast v60, $0xF;
	s28 =	sshrl.u32 s22, $0x4;
	p1 =	seq.s32 s26, $0x0;
	vm5 =	vmneg @p0 vm5;
	(xrf2) =	vadd.scan.msk.f32 $0xffff, v59  }
0x16b: {  	v61 =	vbroadcast v6, $0xF;
	vm7 =	vmneg @p1 vm7;
	p1 =	seq.s32 s28, $0x0;
	vm5 =	vmand vm5, vm1  }
0x16c: {  	p0 =	sne.s32 s28, $0x0;
	vm1 =	vmand vm7, vm1;
	vm7 =	vmmov vm0;
	vm8 =	vmneg @p1 vm8  }
0x16d: {  	s29 =	sshrl.u32 s23, $0x4;
	vm7 =	vmneg @p0 vm7;
	v2 =	vsel vm5, v4, v2;
	v3 =	vsel vm1, v4, v3  }
0x16e: {  	p1 =	seq.s32 s29, $0x0;
	vm1 =	vmand vm8, vm2;
	p0 =	sne.s32 s29, $0x0;
	vm14 =	vmand vm7, vm2;
	vm2 =	vmmov vm0  }
0x16f: {  	s30 =	sshrl.u32 s24, $0x4;
	vm6 =	vmneg @p1 vm6;
	vm5 =	vmmov vm0;
	vm2 =	vmneg @p0 vm2  }
0x170: {  	p1 =	seq.s32 s30, $0x0;
	v3 =	vsel vm1, v5, v3;
	v2 =	vsel vm14, v5, v2;
	vm1 =	vmand vm2, vm15  }
0x171: {  	vm5 =	vmneg @p1 vm5;
	vm2 =	vmand vm6, vm15;
	v2 =	vsel vm1, v61, v2  }
0x172: {  	p0 =	sne.s32 s30, $0x0;
	v62, _, _ =	vpop (xrf2);
	vm1 =	vmmov vm4;
	vm4 =	vmmov vm0;
	v3 =	vsel vm2, v61, v3  }
0x173: {  	s31 =	sshrl.u32 s25, $0x4;
	v4 =	vbroadcast v62, $0xF;
	vm4 =	vmneg @p0 vm4;
	vm3 =	vmmov vm3  }
0x174: {  	p0 =	seq.s32 s31, $0x0;
	vm2 =	vmand vm4, vm1;
	vm1 =	vmand vm5, vm1;
	vm4 =	vmmov vm0;
	v63, _, _ =	vpop (xrf2)  }
0x175: {  	p1 =	sne.s32 s31, $0x0;
	vm5 =	vmmov vm0;
	vm4 =	vmneg @p0 vm4;
	v5 =	vbroadcast v63, $0xF  }
0x176: {  	v3 =	vsel vm1, v4, v3;
	vm5 =	vmneg @p1 vm5;
	vm1 =	vmand vm4, vm3  }
0x177: {  	s20 =	sadd.s32 $0x1, s20;
	v2 =	vsel vm2, v4, v2;
	vm2 =	vmand vm5, vm3;
	v3 =	vsel vm1, v5, v3  }
0x178: {  	p0 =	sne.s32 s20, s11;
	v2 =	vsel vm2, v5, v2;
	[tilespmem:$0x18500] =	vst v3  }
.Ltmp7:
0x179: {  	[tilespmem:$0x18510] =	vst v2;
	(pc) =	sbr.rel @p0 .LBB2_1-.Ltmp7, $4  }
0x17a: {  	[hbm4b:s10+s3] =	stream.linear.scatter [tilespmem:s19], [sflag:$0x4], $0x20, $0x38;
	[tilespmem:$0x18580] =	vst v63  }
0x17b: {  	_ =	swait.ge [sflag:s15], $0x20  }
0x17c: {  	[sflag:s15] =	ssyncset.done $0x0  }
0x17d: {  	[sflag:s15] =	ssyncadd.s32 $0xFFFFFFE0  }
0x17e: {  	_ =	sfence.sel $0x180000  }
0x17f: {  	[bflag:$0x0] =	sbarrier.arrive $0xFFFF  }
0x180: {  	_ =	strace $0x90000047  }
0x181: {  	s0 =	stileid.u32;
	[bflag:$0x2] =	sbarrier.arrive $0xFFFF  }
0x182: {  	p0 =	sne.s32 s0, $0x0;
	s0 =	rddreg [dreg:$0x2]  }
0x183: {  	s0 =	sadd.s32 @!p0 $0x100000, s0  }
0x184: {  	[sflag:s0] =	ssyncadd.tile.s32 @!p0 $0x1;
	_ =	shalt  }
.Lfunc_end2:
_tile_overlayer_lowered:
.L_overlay_start_2:
0x185: {  	(tag) =	ssettag $0x2  }
0x186: {  	s0 =	rddreg [dreg:$0x0];
	s2 =	stileid.u32  }
0x187: {  	s1 =	rddreg [dreg:$0x1];
	p0 =	sne.s32 s2, $0x0  }
0x188: {  	s3 =	rddreg [dreg:$0x2];
	[bflag:$0x3] =	sbarrier.arrive $0xFFFF;
	s2 =	simm.s32 @!p0 $0x1C04  }
0x189: {  	[timem:s3], [sflag:s2] =	dma.local @!p0 [hbm:s0], s1  }
0x18a: {  	s0 =	simm.s32 @!p0 $0x4  }
0x18b: {  	_ =	swait.ge @!p0 [sflag:s0], s1  }
0x18c: {  	s1 =	ssub.s32 @!p0 $0x0, s1;
	[sflag:s0] =	ssyncset.done @!p0 $0x0  }
0x18d: {  	[sflag:s0] =	ssyncadd.s32 @!p0 s1  }
0x18e: {  	[bflag:$0x3] =	sbarrier.arrive $0xFFFF  }
0x18f: {  	_ =	shalt  }

</sc_bundles>
